<compile_context>
chip_gen: v7x
topology: tpu7x:2x2x1
jax: 0.10.2.dev20260603
libtpu: 0.0.44.dev20260713+nightly
codegen_flags: <defaults>
</compile_context>

<pallas_src>
import jax
import jax.numpy as jnp
from jax import lax
from jax.experimental import pallas as pl
from jax.experimental.pallas import tpu as pltpu
from jax.experimental.pallas import tpu_sc as plsc

N_FIELDS = 26
VOCAB = 100000
EMB = 50
BATCH = 16384
NW = 32
PAIRS = N_FIELDS * EMB
LANES = 16
BCHUNK = 4096
N_BCHUNK = BATCH // BCHUNK


def _sc_body(x_hbm, tab_hbm, out_hbm, row_v, idx_v, out_v, osem, rsem):
  wid = lax.axis_index("s") * 2 + lax.axis_index("c")
  base_n = PAIRS // NW
  extra = PAIRS % NW
  start = wid * base_n + jnp.minimum(wid, extra)
  count = base_n + (wid < extra).astype(jnp.int32)

  def pair_body(i, prev_f):
    pair = start + i
    f = pair // EMB
    d = pair % EMB
    pltpu.async_copy(tab_hbm.at[f, d], row_v, rsem.at[0])

    @pl.when(f != prev_f)
    def _():
      pltpu.sync_copy(x_hbm.at[f], idx_v)

    pltpu.make_async_copy(tab_hbm.at[f, d], row_v, rsem.at[0]).wait()
    for cb in range(N_BCHUNK):
      p = cb % 2
      if cb >= 2:
        pltpu.make_async_copy(
            out_v.at[p],
            out_hbm.at[f, d, pl.ds((cb - 2) * BCHUNK, BCHUNK)],
            osem.at[p],
        ).wait()
      else:
        @pl.when(i > 0)
        def _():
          pltpu.make_async_copy(
              out_v.at[p],
              out_hbm.at[f, d, pl.ds(cb * BCHUNK, BCHUNK)],
              osem.at[p],
          ).wait()

      @plsc.parallel_loop(0, BCHUNK, step=LANES * 4, unroll=4)
      def _(j):
        for u in range(4):
          v16 = idx_v[pl.ds(cb * BCHUNK + j + u * LANES, LANES)]
          vals = plsc.load_gather(row_v, [v16])
          out_v[p, pl.ds(j + u * LANES, LANES)] = jnp.maximum(vals, 0.0)

      pltpu.async_copy(
          out_v.at[p], out_hbm.at[f, d, pl.ds(cb * BCHUNK, BCHUNK)], osem.at[p]
      )
    return f

  lax.fori_loop(0, count, pair_body, jnp.int32(-1))
  last = start + count - 1
  lf = last // EMB
  ld = last % EMB
  for cb in (N_BCHUNK - 2, N_BCHUNK - 1):
    pltpu.make_async_copy(
        out_v.at[cb % 2],
        out_hbm.at[lf, ld, pl.ds(cb * BCHUNK, BCHUNK)],
        osem.at[cb % 2],
    ).wait()


@jax.jit
def kernel(x, tables):
  xi = x.astype(jnp.int32)
  tab_t = jnp.transpose(tables, (0, 2, 1))
  mesh = plsc.VectorSubcoreMesh(core_axis_name="c", subcore_axis_name="s")
  out_t = pl.kernel(
      _sc_body,
      out_type=jax.ShapeDtypeStruct((N_FIELDS, EMB, BATCH), jnp.float32),
      mesh=mesh,
      scratch_types=[
          pltpu.VMEM((VOCAB,), jnp.float32),
          pltpu.VMEM((BATCH,), jnp.int32),
          pltpu.VMEM((2, BCHUNK), jnp.float32),
          pltpu.SemaphoreType.DMA((2,)),
          pltpu.SemaphoreType.DMA((2,)),
      ],
      compiler_params=pltpu.CompilerParams(
          use_tc_tiling_on_sc=True, needs_layout_passes=False
      ),
  )(xi, tab_t)
  return jnp.transpose(out_t, (0, 2, 1))

# --- scband reference (transcript-rebuilt; emitter-appended) ---
"""Pipeline reference for scband-multi-attr-encoder-56891136803513 (READ-ONLY COPY).

The authoritative reference and input builder live on the scoring server;
editing this copy changes nothing except your own understanding.
"""

import jax, jax.numpy as jnp
import numpy as np

N_FIELDS = 26
VOCAB = 100000
EMB_DIM = 50
BATCH = 16384


def setup_inputs(seed: int = 0) -> dict:
    key = jax.random.key(seed)
    k_idx, k_tab = jax.random.split(key)
    x = jax.random.randint(k_idx, (N_FIELDS, BATCH), 0, VOCAB, dtype=jnp.int64 if jax.config.jax_enable_x64 else jnp.int32)
    tables = jax.random.normal(k_tab, (N_FIELDS, VOCAB, EMB_DIM), dtype=jnp.float32)
    return {"x": x, "tables": tables}


def reference(x, tables):
    # Per-attribute embedding lookup: tables[i][x[i]] for each field, then stack.
    # (vmapped gather over the field axis, equivalent to the per-field nn.Embedding loop)
    embeddings = jax.vmap(lambda tbl, idx: jnp.take(tbl, idx, axis=0))(tables, x)
    # np.squeeze in the original: no singleton dims here, so it's a no-op.
    embeddings = jnp.squeeze(embeddings)
    # NOTE: the original computes self.bn(embeddings) but discards the result,
    # returning relu(embeddings) instead. We reproduce that faithfully.
    output = jax.nn.relu(embeddings)
    return output

if __name__ == "__main__":
    import jax
    _d = setup_inputs()
    print(jax.jit(kernel)(*tuple(_d.values())))

</pallas_src>

<mosaic_0001>
#map = affine_map<(d0, d1) -> (0, 0)>
#map1 = affine_map<(d0, d1) -> (0, 0, 0)>
module attributes {stable_mosaic.version = 14 : i64} {
  func.func @_sc_body(%arg0: i32, %arg1: i32, %arg2: memref<26x16384xi32, #tpu.memory_space<hbm>>, %arg3: memref<26x50x100000xf32, #tpu.memory_space<hbm>>, %arg4: memref<26x50x16384xf32, #tpu.memory_space<hbm>>, %arg5: memref<100000xf32, #tpu.memory_space<vmem>>, %arg6: memref<16384xi32, #tpu.memory_space<vmem>>, %arg7: memref<2x4096xf32, #tpu.memory_space<vmem>>, %arg8: memref<2x!tpu.dma_semaphore, #tpu.memory_space<semaphore_mem>>, %arg9: memref<2x!tpu.dma_semaphore, #tpu.memory_space<semaphore_mem>>) attributes {dimension_semantics = [#tpu.dimension_semantics<core_parallel>, #tpu.dimension_semantics<subcore_parallel>], iteration_bounds = array<i64: 2, 16>, scalar_prefetch = 0 : i64, scratch_operands = 5 : i64, tpu.core_type = #tpu.core_type<sc_vector_subcore>, window_params = [{transform_indices = #map}, {transform_indices = #map1}, {transform_indices = #map1}]} {
    %mul3A = arith.constant 2 : i32
    %mul3A_0 = arith.muli %arg1, %mul3A : i32
    %add3A = arith.addi %mul3A_0, %arg0 : i32
    %mul3A_1 = arith.constant 40 : i32
    %mul3A_2 = arith.muli %add3A, %mul3A_1 : i32
    %min3A = arith.constant 20 : i32
    %min3A_3 = arith.minsi %add3A, %min3A : i32
    %add3A_4 = arith.addi %mul3A_2, %min3A_3 : i32
    %lt3A = arith.constant 20 : i32
    %lt3A_5 = arith.cmpi slt, %add3A, %lt3A : i32
    %convert_element_type3A = arith.extui %lt3A_5 : i1 to i32
    %add3A_6 = arith.constant 40 : i32
    %add3A_7 = arith.addi %add3A_6, %convert_element_type3A : i32
    %while3A = arith.constant 0 : i32
    %while3A_8 = arith.constant -1 : i32
    %while3A_9 = arith.subi %add3A_7, %while3A : i32
    %while3A_10 = arith.addi %while3A, %while3A_9 : i32
    %while3A_11 = arith.constant 1 : i32
    %while3A_12 = arith.divsi %while3A_9, %while3A_11 : i32
    %while3A_13 = arith.muli %while3A_12, %while3A_11 : i32
    %while3A_14 = arith.addi %while3A, %while3A_13 : i32
    %while3A_15 = arith.constant 1 : i32
    %while3A_16 = scf.for %while3A_84 = %while3A to %while3A_14 step %while3A_15 iter_args(%while3A_85 = %while3A_8) -> (i32)  : i32 {
      %add3A_86 = arith.addi %add3A_4, %while3A_84 : i32
      %jit3A_87 = arith.constant 50 : i32
      %div3A_88 = arith.divsi %add3A_86, %jit3A_87 : i32
      %sign3A_89 = arith.constant 0 : i32
      %sign3A_90 = arith.cmpi sgt, %add3A_86, %sign3A_89 : i32
      %sign3A_91 = arith.extui %sign3A_90 : i1 to i32
      %sign3A_92 = arith.constant 0 : i32
      %sign3A_93 = arith.cmpi slt, %add3A_86, %sign3A_92 : i32
      %sign3A_94 = arith.extui %sign3A_93 : i1 to i32
      %sign3A_95 = arith.subi %sign3A_91, %sign3A_94 : i32
      %sign3A_96 = arith.constant 0 : i32
      %sign3A_97 = arith.cmpi sgt, %jit3A_87, %sign3A_96 : i32
      %sign3A_98 = arith.extui %sign3A_97 : i1 to i32
      %sign3A_99 = arith.constant 0 : i32
      %sign3A_100 = arith.cmpi slt, %jit3A_87, %sign3A_99 : i32
      %sign3A_101 = arith.extui %sign3A_100 : i1 to i32
      %sign3A_102 = arith.subi %sign3A_98, %sign3A_101 : i32
      %ne3A_103 = arith.cmpi ne, %sign3A_95, %sign3A_102 : i32
      %rem3A_104 = arith.remsi %add3A_86, %jit3A_87 : i32
      %ne3A_105 = arith.constant 0 : i32
      %ne3A_106 = arith.cmpi ne, %rem3A_104, %ne3A_105 : i32
      %and3A_107 = arith.andi %ne3A_103, %ne3A_106 : i1
      %sub3A_108 = arith.constant 1 : i32
      %sub3A_109 = arith.subi %div3A_88, %sub3A_108 : i32
      %select_n3A_110 = arith.select %and3A_107, %sub3A_109, %div3A_88 : i32
      %jit3A_111 = arith.constant 50 : i32
      %eq3A_112 = arith.constant 0 : i32
      %eq3A_113 = arith.cmpi eq, %jit3A_111, %eq3A_112 : i32
      %jit3A_114 = arith.constant 1 : i32
      %select_n3A_115 = arith.select %eq3A_113, %jit3A_114, %jit3A_111 : i32
      %rem3A_116 = arith.remsi %add3A_86, %select_n3A_115 : i32
      %ne3A_117 = arith.constant 0 : i32
      %ne3A_118 = arith.cmpi ne, %rem3A_116, %ne3A_117 : i32
      %lt3A_119 = arith.constant 0 : i32
      %lt3A_120 = arith.cmpi slt, %rem3A_116, %lt3A_119 : i32
      %lt3A_121 = arith.constant 0 : i32
      %lt3A_122 = arith.cmpi slt, %select_n3A_115, %lt3A_121 : i32
      %ne3A_123 = arith.xori %lt3A_120, %lt3A_122 : i1
      %and3A_124 = arith.andi %ne3A_123, %ne3A_118 : i1
      %add3A_125 = arith.addi %rem3A_116, %select_n3A_115 : i32
      %select_n3A_126 = arith.select %and3A_124, %add3A_125, %rem3A_116 : i32
      %dma_start3A = arith.constant 0 : i32
      %dma_start3A_127 = arith.constant 0 : i32
      %dma_start3A_128 = tpu.memref_slice %arg3[%select_n3A_110, %select_n3A_126, %dma_start3A_127] : memref<26x50x100000xf32, #tpu.memory_space<hbm>> -> memref<1x1x100000xf32, #tpu.memory_space<hbm>>
      %dma_start3A_129 = tpu.memref_squeeze %dma_start3A_128 : memref<1x1x100000xf32, #tpu.memory_space<hbm>> -> memref<100000xf32, #tpu.memory_space<hbm>>
      %dma_start3A_130 = tpu.memref_slice %arg9[%dma_start3A] : memref<2x!tpu.dma_semaphore, #tpu.memory_space<semaphore_mem>> -> memref<1x!tpu.dma_semaphore, #tpu.memory_space<semaphore_mem>>
      %dma_start3A_131 = tpu.memref_squeeze %dma_start3A_130 : memref<1x!tpu.dma_semaphore, #tpu.memory_space<semaphore_mem>> -> memref<!tpu.dma_semaphore, #tpu.memory_space<semaphore_mem>>
      %dma_start3A_132 = arith.constant 0 : i32
      %dma_start3A_133 = tpu.memref_slice %arg3[%select_n3A_110, %select_n3A_126, %dma_start3A_132] : memref<26x50x100000xf32, #tpu.memory_space<hbm>> -> memref<1x1x100000xf32, #tpu.memory_space<hbm>>
      %dma_start3A_134 = tpu.memref_squeeze %dma_start3A_133 : memref<1x1x100000xf32, #tpu.memory_space<hbm>> -> memref<100000xf32, #tpu.memory_space<hbm>>
      tpu.enqueue_dma source(%dma_start3A_134 : memref<100000xf32, #tpu.memory_space<hbm>>) target(%arg5 : memref<100000xf32, #tpu.memory_space<vmem>>) target_semaphore(%dma_start3A_131 : memref<!tpu.dma_semaphore, #tpu.memory_space<semaphore_mem>>)
      %ne3A_135 = arith.cmpi ne, %select_n3A_110, %while3A_85 : i32
      %convert_element_type3A_136 = arith.extui %ne3A_135 : i1 to i32
      %cond3A = arith.constant 0 : i32
      %cond3A_137 = arith.cmpi ne, %convert_element_type3A_136, %cond3A : i32
      scf.if %cond3A_137 {
        "tpu.region"() ({
          %run_scoped3A = tpu.sem_alloc : memref<!tpu.dma_semaphore, #tpu.memory_space<semaphore_mem>>
          %dma_start3A_263 = arith.constant 0 : i32
          %dma_start3A_264 = tpu.memref_slice %arg2[%select_n3A_110, %dma_start3A_263] : memref<26x16384xi32, #tpu.memory_space<hbm>> -> memref<1x16384xi32, #tpu.memory_space<hbm>>
          %dma_start3A_265 = tpu.memref_squeeze %dma_start3A_264 : memref<1x16384xi32, #tpu.memory_space<hbm>> -> memref<16384xi32, #tpu.memory_space<hbm>>
          %dma_start3A_266 = arith.constant 0 : i32
          %dma_start3A_267 = tpu.memref_slice %arg2[%select_n3A_110, %dma_start3A_266] : memref<26x16384xi32, #tpu.memory_space<hbm>> -> memref<1x16384xi32, #tpu.memory_space<hbm>>
          %dma_start3A_268 = tpu.memref_squeeze %dma_start3A_267 : memref<1x16384xi32, #tpu.memory_space<hbm>> -> memref<16384xi32, #tpu.memory_space<hbm>>
          tpu.enqueue_dma source(%dma_start3A_268 : memref<16384xi32, #tpu.memory_space<hbm>>) target(%arg6 : memref<16384xi32, #tpu.memory_space<vmem>>) target_semaphore(%run_scoped3A : memref<!tpu.dma_semaphore, #tpu.memory_space<semaphore_mem>>)
          %dma_wait3A_269 = arith.constant 0 : i32
          %dma_wait3A_270 = tpu.memref_slice %arg2[%select_n3A_110, %dma_wait3A_269] : memref<26x16384xi32, #tpu.memory_space<hbm>> -> memref<1x16384xi32, #tpu.memory_space<hbm>>
          %dma_wait3A_271 = tpu.memref_squeeze %dma_wait3A_270 : memref<1x16384xi32, #tpu.memory_space<hbm>> -> memref<16384xi32, #tpu.memory_space<hbm>>
          %dma_wait3A_272 = arith.constant 0 : i32
          %dma_wait3A_273 = tpu.memref_slice %arg2[%select_n3A_110, %dma_wait3A_272] : memref<26x16384xi32, #tpu.memory_space<hbm>> -> memref<1x16384xi32, #tpu.memory_space<hbm>>
          %dma_wait3A_274 = tpu.memref_squeeze %dma_wait3A_273 : memref<1x16384xi32, #tpu.memory_space<hbm>> -> memref<16384xi32, #tpu.memory_space<hbm>>
          tpu.wait_dma2 semaphore(%run_scoped3A : memref<!tpu.dma_semaphore, #tpu.memory_space<semaphore_mem>>) src(%dma_wait3A_274 : memref<16384xi32, #tpu.memory_space<hbm>>) dst(%arg6 : memref<16384xi32, #tpu.memory_space<vmem>>)
          tpu.yield
        }) : () -> ()
      } else {
      }
      %dma_wait3A_138 = arith.constant 0 : i32
      %dma_wait3A_139 = arith.constant 0 : i32
      %dma_wait3A_140 = tpu.memref_slice %arg3[%select_n3A_110, %select_n3A_126, %dma_wait3A_139] : memref<26x50x100000xf32, #tpu.memory_space<hbm>> -> memref<1x1x100000xf32, #tpu.memory_space<hbm>>
      %dma_wait3A_141 = tpu.memref_squeeze %dma_wait3A_140 : memref<1x1x100000xf32, #tpu.memory_space<hbm>> -> memref<100000xf32, #tpu.memory_space<hbm>>
      %dma_wait3A_142 = tpu.memref_slice %arg9[%dma_wait3A_138] : memref<2x!tpu.dma_semaphore, #tpu.memory_space<semaphore_mem>> -> memref<1x!tpu.dma_semaphore, #tpu.memory_space<semaphore_mem>>
      %dma_wait3A_143 = tpu.memref_squeeze %dma_wait3A_142 : memref<1x!tpu.dma_semaphore, #tpu.memory_space<semaphore_mem>> -> memref<!tpu.dma_semaphore, #tpu.memory_space<semaphore_mem>>
      %dma_wait3A_144 = arith.constant 0 : i32
      %dma_wait3A_145 = tpu.memref_slice %arg3[%select_n3A_110, %select_n3A_126, %dma_wait3A_144] : memref<26x50x100000xf32, #tpu.memory_space<hbm>> -> memref<1x1x100000xf32, #tpu.memory_space<hbm>>
      %dma_wait3A_146 = tpu.memref_squeeze %dma_wait3A_145 : memref<1x1x100000xf32, #tpu.memory_space<hbm>> -> memref<100000xf32, #tpu.memory_space<hbm>>
      tpu.wait_dma2 semaphore(%dma_wait3A_143 : memref<!tpu.dma_semaphore, #tpu.memory_space<semaphore_mem>>) src(%dma_wait3A_146 : memref<100000xf32, #tpu.memory_space<hbm>>) dst(%arg5 : memref<100000xf32, #tpu.memory_space<vmem>>)
      %gt3A = arith.constant 0 : i32
      %gt3A_147 = arith.cmpi sgt, %while3A_84, %gt3A : i32
      %convert_element_type3A_148 = arith.extui %gt3A_147 : i1 to i32
      %cond3A_149 = arith.constant 0 : i32
      %cond3A_150 = arith.cmpi ne, %convert_element_type3A_148, %cond3A_149 : i32
      scf.if %cond3A_150 {
        %dma_wait3A_263 = arith.constant 0 : i32
        %dma_wait3A_264 = arith.constant 0 : i32
        %dma_wait3A_265 = arith.constant 0 : i32
        %dma_wait3A_266 = tpu.memref_slice %arg7[%dma_wait3A_263, %dma_wait3A_265] : memref<2x4096xf32, #tpu.memory_space<vmem>> -> memref<1x4096xf32, #tpu.memory_space<vmem>>
        %dma_wait3A_267 = tpu.memref_squeeze %dma_wait3A_266 : memref<1x4096xf32, #tpu.memory_space<vmem>> -> memref<4096xf32, #tpu.memory_space<vmem>>
        %dma_wait3A_268 = arith.constant 0 : i32
        %dma_wait3A_269 = tpu.memref_slice %arg4[%select_n3A_110, %select_n3A_126, %dma_wait3A_268] : memref<26x50x16384xf32, #tpu.memory_space<hbm>> -> memref<1x1x4096xf32, #tpu.memory_space<hbm>>
        %dma_wait3A_270 = tpu.memref_squeeze %dma_wait3A_269 : memref<1x1x4096xf32, #tpu.memory_space<hbm>> -> memref<4096xf32, #tpu.memory_space<hbm>>
        %dma_wait3A_271 = tpu.memref_slice %arg8[%dma_wait3A_264] : memref<2x!tpu.dma_semaphore, #tpu.memory_space<semaphore_mem>> -> memref<1x!tpu.dma_semaphore, #tpu.memory_space<semaphore_mem>>
        %dma_wait3A_272 = tpu.memref_squeeze %dma_wait3A_271 : memref<1x!tpu.dma_semaphore, #tpu.memory_space<semaphore_mem>> -> memref<!tpu.dma_semaphore, #tpu.memory_space<semaphore_mem>>
        %dma_wait3A_273 = arith.constant 0 : i32
        %dma_wait3A_274 = tpu.memref_slice %arg4[%select_n3A_110, %select_n3A_126, %dma_wait3A_273] : memref<26x50x16384xf32, #tpu.memory_space<hbm>> -> memref<1x1x4096xf32, #tpu.memory_space<hbm>>
        %dma_wait3A_275 = tpu.memref_squeeze %dma_wait3A_274 : memref<1x1x4096xf32, #tpu.memory_space<hbm>> -> memref<4096xf32, #tpu.memory_space<hbm>>
        %dma_wait3A_276 = arith.constant 0 : i32
        %dma_wait3A_277 = tpu.memref_slice %arg7[%dma_wait3A_263, %dma_wait3A_276] : memref<2x4096xf32, #tpu.memory_space<vmem>> -> memref<1x4096xf32, #tpu.memory_space<vmem>>
        %dma_wait3A_278 = tpu.memref_squeeze %dma_wait3A_277 : memref<1x4096xf32, #tpu.memory_space<vmem>> -> memref<4096xf32, #tpu.memory_space<vmem>>
        tpu.wait_dma2 semaphore(%dma_wait3A_272 : memref<!tpu.dma_semaphore, #tpu.memory_space<semaphore_mem>>) src(%dma_wait3A_278 : memref<4096xf32, #tpu.memory_space<vmem>>) dst(%dma_wait3A_275 : memref<4096xf32, #tpu.memory_space<hbm>>)
      } else {
      }
      %parallel_loop3A = arith.constant 0 : i32
      %parallel_loop3A_151 = arith.constant 4096 : i32
      %parallel_loop3A_152 = arith.constant 64 : i32
      scf.for %parallel_loop3A_263 = %parallel_loop3A to %parallel_loop3A_151 step %parallel_loop3A_152  : i32 {
        %parallel_loop3A_264 = arith.constant 0 : i32
        %parallel_loop3A_265 = arith.addi %parallel_loop3A_264, %parallel_loop3A_263 : i32
        %parallel_loop3A_266 = arith.constant 0 : i32
        %parallel_loop3A_267 = arith.addi %parallel_loop3A_265, %parallel_loop3A_266 : i32
        %parallel_loop3A_268 = arith.index_cast %parallel_loop3A_267 : i32 to index
        %parallel_loop3A_269 = tpu.vector_load %arg6[%parallel_loop3A_268] {strides = array<i32>} : memref<16384xi32, #tpu.memory_space<vmem>>, vector<16xi32>,
        %parallel_loop3A_270 = tpu.vector_load_idx %arg5[%parallel_loop3A_269] : memref<100000xf32, #tpu.memory_space<vmem>>[vector<16xi32>], vector<16xf32>,
        %parallel_loop3A_271 = arith.constant 0.000000e+00 : f32
        %parallel_loop3A_272 = vector.broadcast %parallel_loop3A_271 : f32 to vector<16xf32>
        %parallel_loop3A_273 = arith.maximumf %parallel_loop3A_270, %parallel_loop3A_272 : vector<16xf32>
        %parallel_loop3A_274 = arith.constant 0 : i32
        %parallel_loop3A_275 = arith.addi %parallel_loop3A_263, %parallel_loop3A_274 : i32
        %parallel_loop3A_276 = arith.constant 0 : i32
        %parallel_loop3A_277 = arith.index_cast %parallel_loop3A_276 : i32 to index
        %parallel_loop3A_278 = arith.index_cast %parallel_loop3A_275 : i32 to index
        %parallel_loop3A_279 = tpu.vector_load %arg7[%parallel_loop3A_277, %parallel_loop3A_278] {strides = array<i32>} : memref<2x4096xf32, #tpu.memory_space<vmem>>, vector<16xf32>,
        tpu.vector_store %arg7[%parallel_loop3A_277, %parallel_loop3A_278], %parallel_loop3A_273 {strides = array<i32>} : memref<2x4096xf32, #tpu.memory_space<vmem>>, vector<16xf32>,
        %parallel_loop3A_280 = arith.constant 0 : i32
        %parallel_loop3A_281 = arith.addi %parallel_loop3A_280, %parallel_loop3A_263 : i32
        %parallel_loop3A_282 = arith.constant 16 : i32
        %parallel_loop3A_283 = arith.addi %parallel_loop3A_281, %parallel_loop3A_282 : i32
        %parallel_loop3A_284 = arith.index_cast %parallel_loop3A_283 : i32 to index
        %parallel_loop3A_285 = tpu.vector_load %arg6[%parallel_loop3A_284] {strides = array<i32>} : memref<16384xi32, #tpu.memory_space<vmem>>, vector<16xi32>,
        %parallel_loop3A_286 = tpu.vector_load_idx %arg5[%parallel_loop3A_285] : memref<100000xf32, #tpu.memory_space<vmem>>[vector<16xi32>], vector<16xf32>,
        %parallel_loop3A_287 = arith.constant 0.000000e+00 : f32
        %parallel_loop3A_288 = vector.broadcast %parallel_loop3A_287 : f32 to vector<16xf32>
        %parallel_loop3A_289 = arith.maximumf %parallel_loop3A_286, %parallel_loop3A_288 : vector<16xf32>
        %parallel_loop3A_290 = arith.constant 16 : i32
        %parallel_loop3A_291 = arith.addi %parallel_loop3A_263, %parallel_loop3A_290 : i32
        %parallel_loop3A_292 = arith.constant 0 : i32
        %parallel_loop3A_293 = arith.index_cast %parallel_loop3A_292 : i32 to index
        %parallel_loop3A_294 = arith.index_cast %parallel_loop3A_291 : i32 to index
        %parallel_loop3A_295 = tpu.vector_load %arg7[%parallel_loop3A_293, %parallel_loop3A_294] {strides = array<i32>} : memref<2x4096xf32, #tpu.memory_space<vmem>>, vector<16xf32>,
        tpu.vector_store %arg7[%parallel_loop3A_293, %parallel_loop3A_294], %parallel_loop3A_289 {strides = array<i32>} : memref<2x4096xf32, #tpu.memory_space<vmem>>, vector<16xf32>,
        %parallel_loop3A_296 = arith.constant 0 : i32
        %parallel_loop3A_297 = arith.addi %parallel_loop3A_296, %parallel_loop3A_263 : i32
        %parallel_loop3A_298 = arith.constant 32 : i32
        %parallel_loop3A_299 = arith.addi %parallel_loop3A_297, %parallel_loop3A_298 : i32
        %parallel_loop3A_300 = arith.index_cast %parallel_loop3A_299 : i32 to index
        %parallel_loop3A_301 = tpu.vector_load %arg6[%parallel_loop3A_300] {strides = array<i32>} : memref<16384xi32, #tpu.memory_space<vmem>>, vector<16xi32>,
        %parallel_loop3A_302 = tpu.vector_load_idx %arg5[%parallel_loop3A_301] : memref<100000xf32, #tpu.memory_space<vmem>>[vector<16xi32>], vector<16xf32>,
        %parallel_loop3A_303 = arith.constant 0.000000e+00 : f32
        %parallel_loop3A_304 = vector.broadcast %parallel_loop3A_303 : f32 to vector<16xf32>
        %parallel_loop3A_305 = arith.maximumf %parallel_loop3A_302, %parallel_loop3A_304 : vector<16xf32>
        %parallel_loop3A_306 = arith.constant 32 : i32
        %parallel_loop3A_307 = arith.addi %parallel_loop3A_263, %parallel_loop3A_306 : i32
        %parallel_loop3A_308 = arith.constant 0 : i32
        %parallel_loop3A_309 = arith.index_cast %parallel_loop3A_308 : i32 to index
        %parallel_loop3A_310 = arith.index_cast %parallel_loop3A_307 : i32 to index
        %parallel_loop3A_311 = tpu.vector_load %arg7[%parallel_loop3A_309, %parallel_loop3A_310] {strides = array<i32>} : memref<2x4096xf32, #tpu.memory_space<vmem>>, vector<16xf32>,
        tpu.vector_store %arg7[%parallel_loop3A_309, %parallel_loop3A_310], %parallel_loop3A_305 {strides = array<i32>} : memref<2x4096xf32, #tpu.memory_space<vmem>>, vector<16xf32>,
        %parallel_loop3A_312 = arith.constant 0 : i32
        %parallel_loop3A_313 = arith.addi %parallel_loop3A_312, %parallel_loop3A_263 : i32
        %parallel_loop3A_314 = arith.constant 48 : i32
        %parallel_loop3A_315 = arith.addi %parallel_loop3A_313, %parallel_loop3A_314 : i32
        %parallel_loop3A_316 = arith.index_cast %parallel_loop3A_315 : i32 to index
        %parallel_loop3A_317 = tpu.vector_load %arg6[%parallel_loop3A_316] {strides = array<i32>} : memref<16384xi32, #tpu.memory_space<vmem>>, vector<16xi32>,
        %parallel_loop3A_318 = tpu.vector_load_idx %arg5[%parallel_loop3A_317] : memref<100000xf32, #tpu.memory_space<vmem>>[vector<16xi32>], vector<16xf32>,
        %parallel_loop3A_319 = arith.constant 0.000000e+00 : f32
        %parallel_loop3A_320 = vector.broadcast %parallel_loop3A_319 : f32 to vector<16xf32>
        %parallel_loop3A_321 = arith.maximumf %parallel_loop3A_318, %parallel_loop3A_320 : vector<16xf32>
        %parallel_loop3A_322 = arith.constant 48 : i32
        %parallel_loop3A_323 = arith.addi %parallel_loop3A_263, %parallel_loop3A_322 : i32
        %parallel_loop3A_324 = arith.constant 0 : i32
        %parallel_loop3A_325 = arith.index_cast %parallel_loop3A_324 : i32 to index
        %parallel_loop3A_326 = arith.index_cast %parallel_loop3A_323 : i32 to index
        %parallel_loop3A_327 = tpu.vector_load %arg7[%parallel_loop3A_325, %parallel_loop3A_326] {strides = array<i32>} : memref<2x4096xf32, #tpu.memory_space<vmem>>, vector<16xf32>,
        tpu.vector_store %arg7[%parallel_loop3A_325, %parallel_loop3A_326], %parallel_loop3A_321 {strides = array<i32>} : memref<2x4096xf32, #tpu.memory_space<vmem>>, vector<16xf32>,
      } {sc.loop_unroll_factor = 4 : i64, sc.parallel_access}
      %dma_start3A_153 = arith.constant 0 : i32
      %dma_start3A_154 = arith.constant 0 : i32
      %dma_start3A_155 = arith.constant 0 : i32
      %dma_start3A_156 = tpu.memref_slice %arg7[%dma_start3A_153, %dma_start3A_155] : memref<2x4096xf32, #tpu.memory_space<vmem>> -> memref<1x4096xf32, #tpu.memory_space<vmem>>
      %dma_start3A_157 = tpu.memref_squeeze %dma_start3A_156 : memref<1x4096xf32, #tpu.memory_space<vmem>> -> memref<4096xf32, #tpu.memory_space<vmem>>
      %dma_start3A_158 = arith.constant 0 : i32
      %dma_start3A_159 = tpu.memref_slice %arg4[%select_n3A_110, %select_n3A_126, %dma_start3A_158] : memref<26x50x16384xf32, #tpu.memory_space<hbm>> -> memref<1x1x4096xf32, #tpu.memory_space<hbm>>
      %dma_start3A_160 = tpu.memref_squeeze %dma_start3A_159 : memref<1x1x4096xf32, #tpu.memory_space<hbm>> -> memref<4096xf32, #tpu.memory_space<hbm>>
      %dma_start3A_161 = tpu.memref_slice %arg8[%dma_start3A_154] : memref<2x!tpu.dma_semaphore, #tpu.memory_space<semaphore_mem>> -> memref<1x!tpu.dma_semaphore, #tpu.memory_space<semaphore_mem>>
      %dma_start3A_162 = tpu.memref_squeeze %dma_start3A_161 : memref<1x!tpu.dma_semaphore, #tpu.memory_space<semaphore_mem>> -> memref<!tpu.dma_semaphore, #tpu.memory_space<semaphore_mem>>
      %dma_start3A_163 = arith.constant 0 : i32
      %dma_start3A_164 = tpu.memref_slice %arg4[%select_n3A_110, %select_n3A_126, %dma_start3A_163] : memref<26x50x16384xf32, #tpu.memory_space<hbm>> -> memref<1x1x4096xf32, #tpu.memory_space<hbm>>
      %dma_start3A_165 = tpu.memref_squeeze %dma_start3A_164 : memref<1x1x4096xf32, #tpu.memory_space<hbm>> -> memref<4096xf32, #tpu.memory_space<hbm>>
      %dma_start3A_166 = arith.constant 0 : i32
      %dma_start3A_167 = tpu.memref_slice %arg7[%dma_start3A_153, %dma_start3A_166] : memref<2x4096xf32, #tpu.memory_space<vmem>> -> memref<1x4096xf32, #tpu.memory_space<vmem>>
      %dma_start3A_168 = tpu.memref_squeeze %dma_start3A_167 : memref<1x4096xf32, #tpu.memory_space<vmem>> -> memref<4096xf32, #tpu.memory_space<vmem>>
      tpu.enqueue_dma source(%dma_start3A_168 : memref<4096xf32, #tpu.memory_space<vmem>>) target(%dma_start3A_165 : memref<4096xf32, #tpu.memory_space<hbm>>) target_semaphore(%dma_start3A_162 : memref<!tpu.dma_semaphore, #tpu.memory_space<semaphore_mem>>)
      %gt3A_169 = arith.constant 0 : i32
      %gt3A_170 = arith.cmpi sgt, %while3A_84, %gt3A_169 : i32
      %convert_element_type3A_171 = arith.extui %gt3A_170 : i1 to i32
      %cond3A_172 = arith.constant 0 : i32
      %cond3A_173 = arith.cmpi ne, %convert_element_type3A_171, %cond3A_172 : i32
      scf.if %cond3A_173 {
        %dma_wait3A_263 = arith.constant 1 : i32
        %dma_wait3A_264 = arith.constant 1 : i32
        %dma_wait3A_265 = arith.constant 0 : i32
        %dma_wait3A_266 = tpu.memref_slice %arg7[%dma_wait3A_263, %dma_wait3A_265] : memref<2x4096xf32, #tpu.memory_space<vmem>> -> memref<1x4096xf32, #tpu.memory_space<vmem>>
        %dma_wait3A_267 = tpu.memref_squeeze %dma_wait3A_266 : memref<1x4096xf32, #tpu.memory_space<vmem>> -> memref<4096xf32, #tpu.memory_space<vmem>>
        %dma_wait3A_268 = arith.constant 4096 : i32
        %dma_wait3A_269 = tpu.memref_slice %arg4[%select_n3A_110, %select_n3A_126, %dma_wait3A_268] : memref<26x50x16384xf32, #tpu.memory_space<hbm>> -> memref<1x1x4096xf32, #tpu.memory_space<hbm>>
        %dma_wait3A_270 = tpu.memref_squeeze %dma_wait3A_269 : memref<1x1x4096xf32, #tpu.memory_space<hbm>> -> memref<4096xf32, #tpu.memory_space<hbm>>
        %dma_wait3A_271 = tpu.memref_slice %arg8[%dma_wait3A_264] : memref<2x!tpu.dma_semaphore, #tpu.memory_space<semaphore_mem>> -> memref<1x!tpu.dma_semaphore, #tpu.memory_space<semaphore_mem>>
        %dma_wait3A_272 = tpu.memref_squeeze %dma_wait3A_271 : memref<1x!tpu.dma_semaphore, #tpu.memory_space<semaphore_mem>> -> memref<!tpu.dma_semaphore, #tpu.memory_space<semaphore_mem>>
        %dma_wait3A_273 = arith.constant 4096 : i32
        %dma_wait3A_274 = tpu.memref_slice %arg4[%select_n3A_110, %select_n3A_126, %dma_wait3A_273] : memref<26x50x16384xf32, #tpu.memory_space<hbm>> -> memref<1x1x4096xf32, #tpu.memory_space<hbm>>
        %dma_wait3A_275 = tpu.memref_squeeze %dma_wait3A_274 : memref<1x1x4096xf32, #tpu.memory_space<hbm>> -> memref<4096xf32, #tpu.memory_space<hbm>>
        %dma_wait3A_276 = arith.constant 0 : i32
        %dma_wait3A_277 = tpu.memref_slice %arg7[%dma_wait3A_263, %dma_wait3A_276] : memref<2x4096xf32, #tpu.memory_space<vmem>> -> memref<1x4096xf32, #tpu.memory_space<vmem>>
        %dma_wait3A_278 = tpu.memref_squeeze %dma_wait3A_277 : memref<1x4096xf32, #tpu.memory_space<vmem>> -> memref<4096xf32, #tpu.memory_space<vmem>>
        tpu.wait_dma2 semaphore(%dma_wait3A_272 : memref<!tpu.dma_semaphore, #tpu.memory_space<semaphore_mem>>) src(%dma_wait3A_278 : memref<4096xf32, #tpu.memory_space<vmem>>) dst(%dma_wait3A_275 : memref<4096xf32, #tpu.memory_space<hbm>>)
      } else {
      }
      %parallel_loop3A_174 = arith.constant 0 : i32
      %parallel_loop3A_175 = arith.constant 4096 : i32
      %parallel_loop3A_176 = arith.constant 64 : i32
      scf.for %parallel_loop3A_263 = %parallel_loop3A_174 to %parallel_loop3A_175 step %parallel_loop3A_176  : i32 {
        %parallel_loop3A_264 = arith.constant 4096 : i32
        %parallel_loop3A_265 = arith.addi %parallel_loop3A_264, %parallel_loop3A_263 : i32
        %parallel_loop3A_266 = arith.constant 0 : i32
        %parallel_loop3A_267 = arith.addi %parallel_loop3A_265, %parallel_loop3A_266 : i32
        %parallel_loop3A_268 = arith.index_cast %parallel_loop3A_267 : i32 to index
        %parallel_loop3A_269 = tpu.vector_load %arg6[%parallel_loop3A_268] {strides = array<i32>} : memref<16384xi32, #tpu.memory_space<vmem>>, vector<16xi32>,
        %parallel_loop3A_270 = tpu.vector_load_idx %arg5[%parallel_loop3A_269] : memref<100000xf32, #tpu.memory_space<vmem>>[vector<16xi32>], vector<16xf32>,
        %parallel_loop3A_271 = arith.constant 0.000000e+00 : f32
        %parallel_loop3A_272 = vector.broadcast %parallel_loop3A_271 : f32 to vector<16xf32>
        %parallel_loop3A_273 = arith.maximumf %parallel_loop3A_270, %parallel_loop3A_272 : vector<16xf32>
        %parallel_loop3A_274 = arith.constant 0 : i32
        %parallel_loop3A_275 = arith.addi %parallel_loop3A_263, %parallel_loop3A_274 : i32
        %parallel_loop3A_276 = arith.constant 1 : i32
        %parallel_loop3A_277 = arith.index_cast %parallel_loop3A_276 : i32 to index
        %parallel_loop3A_278 = arith.index_cast %parallel_loop3A_275 : i32 to index
        %parallel_loop3A_279 = tpu.vector_load %arg7[%parallel_loop3A_277, %parallel_loop3A_278] {strides = array<i32>} : memref<2x4096xf32, #tpu.memory_space<vmem>>, vector<16xf32>,
        tpu.vector_store %arg7[%parallel_loop3A_277, %parallel_loop3A_278], %parallel_loop3A_273 {strides = array<i32>} : memref<2x4096xf32, #tpu.memory_space<vmem>>, vector<16xf32>,
        %parallel_loop3A_280 = arith.constant 4096 : i32
        %parallel_loop3A_281 = arith.addi %parallel_loop3A_280, %parallel_loop3A_263 : i32
        %parallel_loop3A_282 = arith.constant 16 : i32
        %parallel_loop3A_283 = arith.addi %parallel_loop3A_281, %parallel_loop3A_282 : i32
        %parallel_loop3A_284 = arith.index_cast %parallel_loop3A_283 : i32 to index
        %parallel_loop3A_285 = tpu.vector_load %arg6[%parallel_loop3A_284] {strides = array<i32>} : memref<16384xi32, #tpu.memory_space<vmem>>, vector<16xi32>,
        %parallel_loop3A_286 = tpu.vector_load_idx %arg5[%parallel_loop3A_285] : memref<100000xf32, #tpu.memory_space<vmem>>[vector<16xi32>], vector<16xf32>,
        %parallel_loop3A_287 = arith.constant 0.000000e+00 : f32
        %parallel_loop3A_288 = vector.broadcast %parallel_loop3A_287 : f32 to vector<16xf32>
        %parallel_loop3A_289 = arith.maximumf %parallel_loop3A_286, %parallel_loop3A_288 : vector<16xf32>
        %parallel_loop3A_290 = arith.constant 16 : i32
        %parallel_loop3A_291 = arith.addi %parallel_loop3A_263, %parallel_loop3A_290 : i32
        %parallel_loop3A_292 = arith.constant 1 : i32
        %parallel_loop3A_293 = arith.index_cast %parallel_loop3A_292 : i32 to index
        %parallel_loop3A_294 = arith.index_cast %parallel_loop3A_291 : i32 to index
        %parallel_loop3A_295 = tpu.vector_load %arg7[%parallel_loop3A_293, %parallel_loop3A_294] {strides = array<i32>} : memref<2x4096xf32, #tpu.memory_space<vmem>>, vector<16xf32>,
        tpu.vector_store %arg7[%parallel_loop3A_293, %parallel_loop3A_294], %parallel_loop3A_289 {strides = array<i32>} : memref<2x4096xf32, #tpu.memory_space<vmem>>, vector<16xf32>,
        %parallel_loop3A_296 = arith.constant 4096 : i32
        %parallel_loop3A_297 = arith.addi %parallel_loop3A_296, %parallel_loop3A_263 : i32
        %parallel_loop3A_298 = arith.constant 32 : i32
        %parallel_loop3A_299 = arith.addi %parallel_loop3A_297, %parallel_loop3A_298 : i32
        %parallel_loop3A_300 = arith.index_cast %parallel_loop3A_299 : i32 to index
        %parallel_loop3A_301 = tpu.vector_load %arg6[%parallel_loop3A_300] {strides = array<i32>} : memref<16384xi32, #tpu.memory_space<vmem>>, vector<16xi32>,
        %parallel_loop3A_302 = tpu.vector_load_idx %arg5[%parallel_loop3A_301] : memref<100000xf32, #tpu.memory_space<vmem>>[vector<16xi32>], vector<16xf32>,
        %parallel_loop3A_303 = arith.constant 0.000000e+00 : f32
        %parallel_loop3A_304 = vector.broadcast %parallel_loop3A_303 : f32 to vector<16xf32>
        %parallel_loop3A_305 = arith.maximumf %parallel_loop3A_302, %parallel_loop3A_304 : vector<16xf32>
        %parallel_loop3A_306 = arith.constant 32 : i32
        %parallel_loop3A_307 = arith.addi %parallel_loop3A_263, %parallel_loop3A_306 : i32
        %parallel_loop3A_308 = arith.constant 1 : i32
        %parallel_loop3A_309 = arith.index_cast %parallel_loop3A_308 : i32 to index
        %parallel_loop3A_310 = arith.index_cast %parallel_loop3A_307 : i32 to index
        %parallel_loop3A_311 = tpu.vector_load %arg7[%parallel_loop3A_309, %parallel_loop3A_310] {strides = array<i32>} : memref<2x4096xf32, #tpu.memory_space<vmem>>, vector<16xf32>,
        tpu.vector_store %arg7[%parallel_loop3A_309, %parallel_loop3A_310], %parallel_loop3A_305 {strides = array<i32>} : memref<2x4096xf32, #tpu.memory_space<vmem>>, vector<16xf32>,
        %parallel_loop3A_312 = arith.constant 4096 : i32
        %parallel_loop3A_313 = arith.addi %parallel_loop3A_312, %parallel_loop3A_263 : i32
        %parallel_loop3A_314 = arith.constant 48 : i32
        %parallel_loop3A_315 = arith.addi %parallel_loop3A_313, %parallel_loop3A_314 : i32
        %parallel_loop3A_316 = arith.index_cast %parallel_loop3A_315 : i32 to index
        %parallel_loop3A_317 = tpu.vector_load %arg6[%parallel_loop3A_316] {strides = array<i32>} : memref<16384xi32, #tpu.memory_space<vmem>>, vector<16xi32>,
        %parallel_loop3A_318 = tpu.vector_load_idx %arg5[%parallel_loop3A_317] : memref<100000xf32, #tpu.memory_space<vmem>>[vector<16xi32>], vector<16xf32>,
        %parallel_loop3A_319 = arith.constant 0.000000e+00 : f32
        %parallel_loop3A_320 = vector.broadcast %parallel_loop3A_319 : f32 to vector<16xf32>
        %parallel_loop3A_321 = arith.maximumf %parallel_loop3A_318, %parallel_loop3A_320 : vector<16xf32>
        %parallel_loop3A_322 = arith.constant 48 : i32
        %parallel_loop3A_323 = arith.addi %parallel_loop3A_263, %parallel_loop3A_322 : i32
        %parallel_loop3A_324 = arith.constant 1 : i32
        %parallel_loop3A_325 = arith.index_cast %parallel_loop3A_324 : i32 to index
        %parallel_loop3A_326 = arith.index_cast %parallel_loop3A_323 : i32 to index
        %parallel_loop3A_327 = tpu.vector_load %arg7[%parallel_loop3A_325, %parallel_loop3A_326] {strides = array<i32>} : memref<2x4096xf32, #tpu.memory_space<vmem>>, vector<16xf32>,
        tpu.vector_store %arg7[%parallel_loop3A_325, %parallel_loop3A_326], %parallel_loop3A_321 {strides = array<i32>} : memref<2x4096xf32, #tpu.memory_space<vmem>>, vector<16xf32>,
      } {sc.loop_unroll_factor = 4 : i64, sc.parallel_access}
      %dma_start3A_177 = arith.constant 1 : i32
      %dma_start3A_178 = arith.constant 1 : i32
      %dma_start3A_179 = arith.constant 0 : i32
      %dma_start3A_180 = tpu.memref_slice %arg7[%dma_start3A_177, %dma_start3A_179] : memref<2x4096xf32, #tpu.memory_space<vmem>> -> memref<1x4096xf32, #tpu.memory_space<vmem>>
      %dma_start3A_181 = tpu.memref_squeeze %dma_start3A_180 : memref<1x4096xf32, #tpu.memory_space<vmem>> -> memref<4096xf32, #tpu.memory_space<vmem>>
      %dma_start3A_182 = arith.constant 4096 : i32
      %dma_start3A_183 = tpu.memref_slice %arg4[%select_n3A_110, %select_n3A_126, %dma_start3A_182] : memref<26x50x16384xf32, #tpu.memory_space<hbm>> -> memref<1x1x4096xf32, #tpu.memory_space<hbm>>
      %dma_start3A_184 = tpu.memref_squeeze %dma_start3A_183 : memref<1x1x4096xf32, #tpu.memory_space<hbm>> -> memref<4096xf32, #tpu.memory_space<hbm>>
      %dma_start3A_185 = tpu.memref_slice %arg8[%dma_start3A_178] : memref<2x!tpu.dma_semaphore, #tpu.memory_space<semaphore_mem>> -> memref<1x!tpu.dma_semaphore, #tpu.memory_space<semaphore_mem>>
      %dma_start3A_186 = tpu.memref_squeeze %dma_start3A_185 : memref<1x!tpu.dma_semaphore, #tpu.memory_space<semaphore_mem>> -> memref<!tpu.dma_semaphore, #tpu.memory_space<semaphore_mem>>
      %dma_start3A_187 = arith.constant 4096 : i32
      %dma_start3A_188 = tpu.memref_slice %arg4[%select_n3A_110, %select_n3A_126, %dma_start3A_187] : memref<26x50x16384xf32, #tpu.memory_space<hbm>> -> memref<1x1x4096xf32, #tpu.memory_space<hbm>>
      %dma_start3A_189 = tpu.memref_squeeze %dma_start3A_188 : memref<1x1x4096xf32, #tpu.memory_space<hbm>> -> memref<4096xf32, #tpu.memory_space<hbm>>
      %dma_start3A_190 = arith.constant 0 : i32
      %dma_start3A_191 = tpu.memref_slice %arg7[%dma_start3A_177, %dma_start3A_190] : memref<2x4096xf32, #tpu.memory_space<vmem>> -> memref<1x4096xf32, #tpu.memory_space<vmem>>
      %dma_start3A_192 = tpu.memref_squeeze %dma_start3A_191 : memref<1x4096xf32, #tpu.memory_space<vmem>> -> memref<4096xf32, #tpu.memory_space<vmem>>
      tpu.enqueue_dma source(%dma_start3A_192 : memref<4096xf32, #tpu.memory_space<vmem>>) target(%dma_start3A_189 : memref<4096xf32, #tpu.memory_space<hbm>>) target_semaphore(%dma_start3A_186 : memref<!tpu.dma_semaphore, #tpu.memory_space<semaphore_mem>>)
      %dma_wait3A_193 = arith.constant 0 : i32
      %dma_wait3A_194 = arith.constant 0 : i32
      %dma_wait3A_195 = arith.constant 0 : i32
      %dma_wait3A_196 = tpu.memref_slice %arg7[%dma_wait3A_193, %dma_wait3A_195] : memref<2x4096xf32, #tpu.memory_space<vmem>> -> memref<1x4096xf32, #tpu.memory_space<vmem>>
      %dma_wait3A_197 = tpu.memref_squeeze %dma_wait3A_196 : memref<1x4096xf32, #tpu.memory_space<vmem>> -> memref<4096xf32, #tpu.memory_space<vmem>>
      %dma_wait3A_198 = arith.constant 0 : i32
      %dma_wait3A_199 = tpu.memref_slice %arg4[%select_n3A_110, %select_n3A_126, %dma_wait3A_198] : memref<26x50x16384xf32, #tpu.memory_space<hbm>> -> memref<1x1x4096xf32, #tpu.memory_space<hbm>>
      %dma_wait3A_200 = tpu.memref_squeeze %dma_wait3A_199 : memref<1x1x4096xf32, #tpu.memory_space<hbm>> -> memref<4096xf32, #tpu.memory_space<hbm>>
      %dma_wait3A_201 = tpu.memref_slice %arg8[%dma_wait3A_194] : memref<2x!tpu.dma_semaphore, #tpu.memory_space<semaphore_mem>> -> memref<1x!tpu.dma_semaphore, #tpu.memory_space<semaphore_mem>>
      %dma_wait3A_202 = tpu.memref_squeeze %dma_wait3A_201 : memref<1x!tpu.dma_semaphore, #tpu.memory_space<semaphore_mem>> -> memref<!tpu.dma_semaphore, #tpu.memory_space<semaphore_mem>>
      %dma_wait3A_203 = arith.constant 0 : i32
      %dma_wait3A_204 = tpu.memref_slice %arg4[%select_n3A_110, %select_n3A_126, %dma_wait3A_203] : memref<26x50x16384xf32, #tpu.memory_space<hbm>> -> memref<1x1x4096xf32, #tpu.memory_space<hbm>>
      %dma_wait3A_205 = tpu.memref_squeeze %dma_wait3A_204 : memref<1x1x4096xf32, #tpu.memory_space<hbm>> -> memref<4096xf32, #tpu.memory_space<hbm>>
      %dma_wait3A_206 = arith.constant 0 : i32
      %dma_wait3A_207 = tpu.memref_slice %arg7[%dma_wait3A_193, %dma_wait3A_206] : memref<2x4096xf32, #tpu.memory_space<vmem>> -> memref<1x4096xf32, #tpu.memory_space<vmem>>
      %dma_wait3A_208 = tpu.memref_squeeze %dma_wait3A_207 : memref<1x4096xf32, #tpu.memory_space<vmem>> -> memref<4096xf32, #tpu.memory_space<vmem>>
      tpu.wait_dma2 semaphore(%dma_wait3A_202 : memref<!tpu.dma_semaphore, #tpu.memory_space<semaphore_mem>>) src(%dma_wait3A_208 : memref<4096xf32, #tpu.memory_space<vmem>>) dst(%dma_wait3A_205 : memref<4096xf32, #tpu.memory_space<hbm>>)
      %parallel_loop3A_209 = arith.constant 0 : i32
      %parallel_loop3A_210 = arith.constant 4096 : i32
      %parallel_loop3A_211 = arith.constant 64 : i32
      scf.for %parallel_loop3A_263 = %parallel_loop3A_209 to %parallel_loop3A_210 step %parallel_loop3A_211  : i32 {
        %parallel_loop3A_264 = arith.constant 8192 : i32
        %parallel_loop3A_265 = arith.addi %parallel_loop3A_264, %parallel_loop3A_263 : i32
        %parallel_loop3A_266 = arith.constant 0 : i32
        %parallel_loop3A_267 = arith.addi %parallel_loop3A_265, %parallel_loop3A_266 : i32
        %parallel_loop3A_268 = arith.index_cast %parallel_loop3A_267 : i32 to index
        %parallel_loop3A_269 = tpu.vector_load %arg6[%parallel_loop3A_268] {strides = array<i32>} : memref<16384xi32, #tpu.memory_space<vmem>>, vector<16xi32>,
        %parallel_loop3A_270 = tpu.vector_load_idx %arg5[%parallel_loop3A_269] : memref<100000xf32, #tpu.memory_space<vmem>>[vector<16xi32>], vector<16xf32>,
        %parallel_loop3A_271 = arith.constant 0.000000e+00 : f32
        %parallel_loop3A_272 = vector.broadcast %parallel_loop3A_271 : f32 to vector<16xf32>
        %parallel_loop3A_273 = arith.maximumf %parallel_loop3A_270, %parallel_loop3A_272 : vector<16xf32>
        %parallel_loop3A_274 = arith.constant 0 : i32
        %parallel_loop3A_275 = arith.addi %parallel_loop3A_263, %parallel_loop3A_274 : i32
        %parallel_loop3A_276 = arith.constant 0 : i32
        %parallel_loop3A_277 = arith.index_cast %parallel_loop3A_276 : i32 to index
        %parallel_loop3A_278 = arith.index_cast %parallel_loop3A_275 : i32 to index
        %parallel_loop3A_279 = tpu.vector_load %arg7[%parallel_loop3A_277, %parallel_loop3A_278] {strides = array<i32>} : memref<2x4096xf32, #tpu.memory_space<vmem>>, vector<16xf32>,
        tpu.vector_store %arg7[%parallel_loop3A_277, %parallel_loop3A_278], %parallel_loop3A_273 {strides = array<i32>} : memref<2x4096xf32, #tpu.memory_space<vmem>>, vector<16xf32>,
        %parallel_loop3A_280 = arith.constant 8192 : i32
        %parallel_loop3A_281 = arith.addi %parallel_loop3A_280, %parallel_loop3A_263 : i32
        %parallel_loop3A_282 = arith.constant 16 : i32
        %parallel_loop3A_283 = arith.addi %parallel_loop3A_281, %parallel_loop3A_282 : i32
        %parallel_loop3A_284 = arith.index_cast %parallel_loop3A_283 : i32 to index
        %parallel_loop3A_285 = tpu.vector_load %arg6[%parallel_loop3A_284] {strides = array<i32>} : memref<16384xi32, #tpu.memory_space<vmem>>, vector<16xi32>,
        %parallel_loop3A_286 = tpu.vector_load_idx %arg5[%parallel_loop3A_285] : memref<100000xf32, #tpu.memory_space<vmem>>[vector<16xi32>], vector<16xf32>,
        %parallel_loop3A_287 = arith.constant 0.000000e+00 : f32
        %parallel_loop3A_288 = vector.broadcast %parallel_loop3A_287 : f32 to vector<16xf32>
        %parallel_loop3A_289 = arith.maximumf %parallel_loop3A_286, %parallel_loop3A_288 : vector<16xf32>
        %parallel_loop3A_290 = arith.constant 16 : i32
        %parallel_loop3A_291 = arith.addi %parallel_loop3A_263, %parallel_loop3A_290 : i32
        %parallel_loop3A_292 = arith.constant 0 : i32
        %parallel_loop3A_293 = arith.index_cast %parallel_loop3A_292 : i32 to index
        %parallel_loop3A_294 = arith.index_cast %parallel_loop3A_291 : i32 to index
        %parallel_loop3A_295 = tpu.vector_load %arg7[%parallel_loop3A_293, %parallel_loop3A_294] {strides = array<i32>} : memref<2x4096xf32, #tpu.memory_space<vmem>>, vector<16xf32>,
        tpu.vector_store %arg7[%parallel_loop3A_293, %parallel_loop3A_294], %parallel_loop3A_289 {strides = array<i32>} : memref<2x4096xf32, #tpu.memory_space<vmem>>, vector<16xf32>,
        %parallel_loop3A_296 = arith.constant 8192 : i32
        %parallel_loop3A_297 = arith.addi %parallel_loop3A_296, %parallel_loop3A_263 : i32
        %parallel_loop3A_298 = arith.constant 32 : i32
        %parallel_loop3A_299 = arith.addi %parallel_loop3A_297, %parallel_loop3A_298 : i32
        %parallel_loop3A_300 = arith.index_cast %parallel_loop3A_299 : i32 to index
        %parallel_loop3A_301 = tpu.vector_load %arg6[%parallel_loop3A_300] {strides = array<i32>} : memref<16384xi32, #tpu.memory_space<vmem>>, vector<16xi32>,
        %parallel_loop3A_302 = tpu.vector_load_idx %arg5[%parallel_loop3A_301] : memref<100000xf32, #tpu.memory_space<vmem>>[vector<16xi32>], vector<16xf32>,
        %parallel_loop3A_303 = arith.constant 0.000000e+00 : f32
        %parallel_loop3A_304 = vector.broadcast %parallel_loop3A_303 : f32 to vector<16xf32>
        %parallel_loop3A_305 = arith.maximumf %parallel_loop3A_302, %parallel_loop3A_304 : vector<16xf32>
        %parallel_loop3A_306 = arith.constant 32 : i32
        %parallel_loop3A_307 = arith.addi %parallel_loop3A_263, %parallel_loop3A_306 : i32
        %parallel_loop3A_308 = arith.constant 0 : i32
        %parallel_loop3A_309 = arith.index_cast %parallel_loop3A_308 : i32 to index
        %parallel_loop3A_310 = arith.index_cast %parallel_loop3A_307 : i32 to index
        %parallel_loop3A_311 = tpu.vector_load %arg7[%parallel_loop3A_309, %parallel_loop3A_310] {strides = array<i32>} : memref<2x4096xf32, #tpu.memory_space<vmem>>, vector<16xf32>,
        tpu.vector_store %arg7[%parallel_loop3A_309, %parallel_loop3A_310], %parallel_loop3A_305 {strides = array<i32>} : memref<2x4096xf32, #tpu.memory_space<vmem>>, vector<16xf32>,
        %parallel_loop3A_312 = arith.constant 8192 : i32
        %parallel_loop3A_313 = arith.addi %parallel_loop3A_312, %parallel_loop3A_263 : i32
        %parallel_loop3A_314 = arith.constant 48 : i32
        %parallel_loop3A_315 = arith.addi %parallel_loop3A_313, %parallel_loop3A_314 : i32
        %parallel_loop3A_316 = arith.index_cast %parallel_loop3A_315 : i32 to index
        %parallel_loop3A_317 = tpu.vector_load %arg6[%parallel_loop3A_316] {strides = array<i32>} : memref<16384xi32, #tpu.memory_space<vmem>>, vector<16xi32>,
        %parallel_loop3A_318 = tpu.vector_load_idx %arg5[%parallel_loop3A_317] : memref<100000xf32, #tpu.memory_space<vmem>>[vector<16xi32>], vector<16xf32>,
        %parallel_loop3A_319 = arith.constant 0.000000e+00 : f32
        %parallel_loop3A_320 = vector.broadcast %parallel_loop3A_319 : f32 to vector<16xf32>
        %parallel_loop3A_321 = arith.maximumf %parallel_loop3A_318, %parallel_loop3A_320 : vector<16xf32>
        %parallel_loop3A_322 = arith.constant 48 : i32
        %parallel_loop3A_323 = arith.addi %parallel_loop3A_263, %parallel_loop3A_322 : i32
        %parallel_loop3A_324 = arith.constant 0 : i32
        %parallel_loop3A_325 = arith.index_cast %parallel_loop3A_324 : i32 to index
        %parallel_loop3A_326 = arith.index_cast %parallel_loop3A_323 : i32 to index
        %parallel_loop3A_327 = tpu.vector_load %arg7[%parallel_loop3A_325, %parallel_loop3A_326] {strides = array<i32>} : memref<2x4096xf32, #tpu.memory_space<vmem>>, vector<16xf32>,
        tpu.vector_store %arg7[%parallel_loop3A_325, %parallel_loop3A_326], %parallel_loop3A_321 {strides = array<i32>} : memref<2x4096xf32, #tpu.memory_space<vmem>>, vector<16xf32>,
      } {sc.loop_unroll_factor = 4 : i64, sc.parallel_access}
      %dma_start3A_212 = arith.constant 0 : i32
      %dma_start3A_213 = arith.constant 0 : i32
      %dma_start3A_214 = arith.constant 0 : i32
      %dma_start3A_215 = tpu.memref_slice %arg7[%dma_start3A_212, %dma_start3A_214] : memref<2x4096xf32, #tpu.memory_space<vmem>> -> memref<1x4096xf32, #tpu.memory_space<vmem>>
      %dma_start3A_216 = tpu.memref_squeeze %dma_start3A_215 : memref<1x4096xf32, #tpu.memory_space<vmem>> -> memref<4096xf32, #tpu.memory_space<vmem>>
      %dma_start3A_217 = arith.constant 8192 : i32
      %dma_start3A_218 = tpu.memref_slice %arg4[%select_n3A_110, %select_n3A_126, %dma_start3A_217] : memref<26x50x16384xf32, #tpu.memory_space<hbm>> -> memref<1x1x4096xf32, #tpu.memory_space<hbm>>
      %dma_start3A_219 = tpu.memref_squeeze %dma_start3A_218 : memref<1x1x4096xf32, #tpu.memory_space<hbm>> -> memref<4096xf32, #tpu.memory_space<hbm>>
      %dma_start3A_220 = tpu.memref_slice %arg8[%dma_start3A_213] : memref<2x!tpu.dma_semaphore, #tpu.memory_space<semaphore_mem>> -> memref<1x!tpu.dma_semaphore, #tpu.memory_space<semaphore_mem>>
      %dma_start3A_221 = tpu.memref_squeeze %dma_start3A_220 : memref<1x!tpu.dma_semaphore, #tpu.memory_space<semaphore_mem>> -> memref<!tpu.dma_semaphore, #tpu.memory_space<semaphore_mem>>
      %dma_start3A_222 = arith.constant 8192 : i32
      %dma_start3A_223 = tpu.memref_slice %arg4[%select_n3A_110, %select_n3A_126, %dma_start3A_222] : memref<26x50x16384xf32, #tpu.memory_space<hbm>> -> memref<1x1x4096xf32, #tpu.memory_space<hbm>>
      %dma_start3A_224 = tpu.memref_squeeze %dma_start3A_223 : memref<1x1x4096xf32, #tpu.memory_space<hbm>> -> memref<4096xf32, #tpu.memory_space<hbm>>
      %dma_start3A_225 = arith.constant 0 : i32
      %dma_start3A_226 = tpu.memref_slice %arg7[%dma_start3A_212, %dma_start3A_225] : memref<2x4096xf32, #tpu.memory_space<vmem>> -> memref<1x4096xf32, #tpu.memory_space<vmem>>
      %dma_start3A_227 = tpu.memref_squeeze %dma_start3A_226 : memref<1x4096xf32, #tpu.memory_space<vmem>> -> memref<4096xf32, #tpu.memory_space<vmem>>
      tpu.enqueue_dma source(%dma_start3A_227 : memref<4096xf32, #tpu.memory_space<vmem>>) target(%dma_start3A_224 : memref<4096xf32, #tpu.memory_space<hbm>>) target_semaphore(%dma_start3A_221 : memref<!tpu.dma_semaphore, #tpu.memory_space<semaphore_mem>>)
      %dma_wait3A_228 = arith.constant 1 : i32
      %dma_wait3A_229 = arith.constant 1 : i32
      %dma_wait3A_230 = arith.constant 0 : i32
      %dma_wait3A_231 = tpu.memref_slice %arg7[%dma_wait3A_228, %dma_wait3A_230] : memref<2x4096xf32, #tpu.memory_space<vmem>> -> memref<1x4096xf32, #tpu.memory_space<vmem>>
      %dma_wait3A_232 = tpu.memref_squeeze %dma_wait3A_231 : memref<1x4096xf32, #tpu.memory_space<vmem>> -> memref<4096xf32, #tpu.memory_space<vmem>>
      %dma_wait3A_233 = arith.constant 4096 : i32
      %dma_wait3A_234 = tpu.memref_slice %arg4[%select_n3A_110, %select_n3A_126, %dma_wait3A_233] : memref<26x50x16384xf32, #tpu.memory_space<hbm>> -> memref<1x1x4096xf32, #tpu.memory_space<hbm>>
      %dma_wait3A_235 = tpu.memref_squeeze %dma_wait3A_234 : memref<1x1x4096xf32, #tpu.memory_space<hbm>> -> memref<4096xf32, #tpu.memory_space<hbm>>
      %dma_wait3A_236 = tpu.memref_slice %arg8[%dma_wait3A_229] : memref<2x!tpu.dma_semaphore, #tpu.memory_space<semaphore_mem>> -> memref<1x!tpu.dma_semaphore, #tpu.memory_space<semaphore_mem>>
      %dma_wait3A_237 = tpu.memref_squeeze %dma_wait3A_236 : memref<1x!tpu.dma_semaphore, #tpu.memory_space<semaphore_mem>> -> memref<!tpu.dma_semaphore, #tpu.memory_space<semaphore_mem>>
      %dma_wait3A_238 = arith.constant 4096 : i32
      %dma_wait3A_239 = tpu.memref_slice %arg4[%select_n3A_110, %select_n3A_126, %dma_wait3A_238] : memref<26x50x16384xf32, #tpu.memory_space<hbm>> -> memref<1x1x4096xf32, #tpu.memory_space<hbm>>
      %dma_wait3A_240 = tpu.memref_squeeze %dma_wait3A_239 : memref<1x1x4096xf32, #tpu.memory_space<hbm>> -> memref<4096xf32, #tpu.memory_space<hbm>>
      %dma_wait3A_241 = arith.constant 0 : i32
      %dma_wait3A_242 = tpu.memref_slice %arg7[%dma_wait3A_228, %dma_wait3A_241] : memref<2x4096xf32, #tpu.memory_space<vmem>> -> memref<1x4096xf32, #tpu.memory_space<vmem>>
      %dma_wait3A_243 = tpu.memref_squeeze %dma_wait3A_242 : memref<1x4096xf32, #tpu.memory_space<vmem>> -> memref<4096xf32, #tpu.memory_space<vmem>>
      tpu.wait_dma2 semaphore(%dma_wait3A_237 : memref<!tpu.dma_semaphore, #tpu.memory_space<semaphore_mem>>) src(%dma_wait3A_243 : memref<4096xf32, #tpu.memory_space<vmem>>) dst(%dma_wait3A_240 : memref<4096xf32, #tpu.memory_space<hbm>>)
      %parallel_loop3A_244 = arith.constant 0 : i32
      %parallel_loop3A_245 = arith.constant 4096 : i32
      %parallel_loop3A_246 = arith.constant 64 : i32
      scf.for %parallel_loop3A_263 = %parallel_loop3A_244 to %parallel_loop3A_245 step %parallel_loop3A_246  : i32 {
        %parallel_loop3A_264 = arith.constant 12288 : i32
        %parallel_loop3A_265 = arith.addi %parallel_loop3A_264, %parallel_loop3A_263 : i32
        %parallel_loop3A_266 = arith.constant 0 : i32
        %parallel_loop3A_267 = arith.addi %parallel_loop3A_265, %parallel_loop3A_266 : i32
        %parallel_loop3A_268 = arith.index_cast %parallel_loop3A_267 : i32 to index
        %parallel_loop3A_269 = tpu.vector_load %arg6[%parallel_loop3A_268] {strides = array<i32>} : memref<16384xi32, #tpu.memory_space<vmem>>, vector<16xi32>,
        %parallel_loop3A_270 = tpu.vector_load_idx %arg5[%parallel_loop3A_269] : memref<100000xf32, #tpu.memory_space<vmem>>[vector<16xi32>], vector<16xf32>,
        %parallel_loop3A_271 = arith.constant 0.000000e+00 : f32
        %parallel_loop3A_272 = vector.broadcast %parallel_loop3A_271 : f32 to vector<16xf32>
        %parallel_loop3A_273 = arith.maximumf %parallel_loop3A_270, %parallel_loop3A_272 : vector<16xf32>
        %parallel_loop3A_274 = arith.constant 0 : i32
        %parallel_loop3A_275 = arith.addi %parallel_loop3A_263, %parallel_loop3A_274 : i32
        %parallel_loop3A_276 = arith.constant 1 : i32
        %parallel_loop3A_277 = arith.index_cast %parallel_loop3A_276 : i32 to index
        %parallel_loop3A_278 = arith.index_cast %parallel_loop3A_275 : i32 to index
        %parallel_loop3A_279 = tpu.vector_load %arg7[%parallel_loop3A_277, %parallel_loop3A_278] {strides = array<i32>} : memref<2x4096xf32, #tpu.memory_space<vmem>>, vector<16xf32>,
        tpu.vector_store %arg7[%parallel_loop3A_277, %parallel_loop3A_278], %parallel_loop3A_273 {strides = array<i32>} : memref<2x4096xf32, #tpu.memory_space<vmem>>, vector<16xf32>,
        %parallel_loop3A_280 = arith.constant 12288 : i32
        %parallel_loop3A_281 = arith.addi %parallel_loop3A_280, %parallel_loop3A_263 : i32
        %parallel_loop3A_282 = arith.constant 16 : i32
        %parallel_loop3A_283 = arith.addi %parallel_loop3A_281, %parallel_loop3A_282 : i32
        %parallel_loop3A_284 = arith.index_cast %parallel_loop3A_283 : i32 to index
        %parallel_loop3A_285 = tpu.vector_load %arg6[%parallel_loop3A_284] {strides = array<i32>} : memref<16384xi32, #tpu.memory_space<vmem>>, vector<16xi32>,
        %parallel_loop3A_286 = tpu.vector_load_idx %arg5[%parallel_loop3A_285] : memref<100000xf32, #tpu.memory_space<vmem>>[vector<16xi32>], vector<16xf32>,
        %parallel_loop3A_287 = arith.constant 0.000000e+00 : f32
        %parallel_loop3A_288 = vector.broadcast %parallel_loop3A_287 : f32 to vector<16xf32>
        %parallel_loop3A_289 = arith.maximumf %parallel_loop3A_286, %parallel_loop3A_288 : vector<16xf32>
        %parallel_loop3A_290 = arith.constant 16 : i32
        %parallel_loop3A_291 = arith.addi %parallel_loop3A_263, %parallel_loop3A_290 : i32
        %parallel_loop3A_292 = arith.constant 1 : i32
        %parallel_loop3A_293 = arith.index_cast %parallel_loop3A_292 : i32 to index
        %parallel_loop3A_294 = arith.index_cast %parallel_loop3A_291 : i32 to index
        %parallel_loop3A_295 = tpu.vector_load %arg7[%parallel_loop3A_293, %parallel_loop3A_294] {strides = array<i32>} : memref<2x4096xf32, #tpu.memory_space<vmem>>, vector<16xf32>,
        tpu.vector_store %arg7[%parallel_loop3A_293, %parallel_loop3A_294], %parallel_loop3A_289 {strides = array<i32>} : memref<2x4096xf32, #tpu.memory_space<vmem>>, vector<16xf32>,
        %parallel_loop3A_296 = arith.constant 12288 : i32
        %parallel_loop3A_297 = arith.addi %parallel_loop3A_296, %parallel_loop3A_263 : i32
        %parallel_loop3A_298 = arith.constant 32 : i32
        %parallel_loop3A_299 = arith.addi %parallel_loop3A_297, %parallel_loop3A_298 : i32
        %parallel_loop3A_300 = arith.index_cast %parallel_loop3A_299 : i32 to index
        %parallel_loop3A_301 = tpu.vector_load %arg6[%parallel_loop3A_300] {strides = array<i32>} : memref<16384xi32, #tpu.memory_space<vmem>>, vector<16xi32>,
        %parallel_loop3A_302 = tpu.vector_load_idx %arg5[%parallel_loop3A_301] : memref<100000xf32, #tpu.memory_space<vmem>>[vector<16xi32>], vector<16xf32>,
        %parallel_loop3A_303 = arith.constant 0.000000e+00 : f32
        %parallel_loop3A_304 = vector.broadcast %parallel_loop3A_303 : f32 to vector<16xf32>
        %parallel_loop3A_305 = arith.maximumf %parallel_loop3A_302, %parallel_loop3A_304 : vector<16xf32>
        %parallel_loop3A_306 = arith.constant 32 : i32
        %parallel_loop3A_307 = arith.addi %parallel_loop3A_263, %parallel_loop3A_306 : i32
        %parallel_loop3A_308 = arith.constant 1 : i32
        %parallel_loop3A_309 = arith.index_cast %parallel_loop3A_308 : i32 to index
        %parallel_loop3A_310 = arith.index_cast %parallel_loop3A_307 : i32 to index
        %parallel_loop3A_311 = tpu.vector_load %arg7[%parallel_loop3A_309, %parallel_loop3A_310] {strides = array<i32>} : memref<2x4096xf32, #tpu.memory_space<vmem>>, vector<16xf32>,
        tpu.vector_store %arg7[%parallel_loop3A_309, %parallel_loop3A_310], %parallel_loop3A_305 {strides = array<i32>} : memref<2x4096xf32, #tpu.memory_space<vmem>>, vector<16xf32>,
        %parallel_loop3A_312 = arith.constant 12288 : i32
        %parallel_loop3A_313 = arith.addi %parallel_loop3A_312, %parallel_loop3A_263 : i32
        %parallel_loop3A_314 = arith.constant 48 : i32
        %parallel_loop3A_315 = arith.addi %parallel_loop3A_313, %parallel_loop3A_314 : i32
        %parallel_loop3A_316 = arith.index_cast %parallel_loop3A_315 : i32 to index
        %parallel_loop3A_317 = tpu.vector_load %arg6[%parallel_loop3A_316] {strides = array<i32>} : memref<16384xi32, #tpu.memory_space<vmem>>, vector<16xi32>,
        %parallel_loop3A_318 = tpu.vector_load_idx %arg5[%parallel_loop3A_317] : memref<100000xf32, #tpu.memory_space<vmem>>[vector<16xi32>], vector<16xf32>,
        %parallel_loop3A_319 = arith.constant 0.000000e+00 : f32
        %parallel_loop3A_320 = vector.broadcast %parallel_loop3A_319 : f32 to vector<16xf32>
        %parallel_loop3A_321 = arith.maximumf %parallel_loop3A_318, %parallel_loop3A_320 : vector<16xf32>
        %parallel_loop3A_322 = arith.constant 48 : i32
        %parallel_loop3A_323 = arith.addi %parallel_loop3A_263, %parallel_loop3A_322 : i32
        %parallel_loop3A_324 = arith.constant 1 : i32
        %parallel_loop3A_325 = arith.index_cast %parallel_loop3A_324 : i32 to index
        %parallel_loop3A_326 = arith.index_cast %parallel_loop3A_323 : i32 to index
        %parallel_loop3A_327 = tpu.vector_load %arg7[%parallel_loop3A_325, %parallel_loop3A_326] {strides = array<i32>} : memref<2x4096xf32, #tpu.memory_space<vmem>>, vector<16xf32>,
        tpu.vector_store %arg7[%parallel_loop3A_325, %parallel_loop3A_326], %parallel_loop3A_321 {strides = array<i32>} : memref<2x4096xf32, #tpu.memory_space<vmem>>, vector<16xf32>,
      } {sc.loop_unroll_factor = 4 : i64, sc.parallel_access}
      %dma_start3A_247 = arith.constant 1 : i32
      %dma_start3A_248 = arith.constant 1 : i32
      %dma_start3A_249 = arith.constant 0 : i32
      %dma_start3A_250 = tpu.memref_slice %arg7[%dma_start3A_247, %dma_start3A_249] : memref<2x4096xf32, #tpu.memory_space<vmem>> -> memref<1x4096xf32, #tpu.memory_space<vmem>>
      %dma_start3A_251 = tpu.memref_squeeze %dma_start3A_250 : memref<1x4096xf32, #tpu.memory_space<vmem>> -> memref<4096xf32, #tpu.memory_space<vmem>>
      %dma_start3A_252 = arith.constant 12288 : i32
      %dma_start3A_253 = tpu.memref_slice %arg4[%select_n3A_110, %select_n3A_126, %dma_start3A_252] : memref<26x50x16384xf32, #tpu.memory_space<hbm>> -> memref<1x1x4096xf32, #tpu.memory_space<hbm>>
      %dma_start3A_254 = tpu.memref_squeeze %dma_start3A_253 : memref<1x1x4096xf32, #tpu.memory_space<hbm>> -> memref<4096xf32, #tpu.memory_space<hbm>>
      %dma_start3A_255 = tpu.memref_slice %arg8[%dma_start3A_248] : memref<2x!tpu.dma_semaphore, #tpu.memory_space<semaphore_mem>> -> memref<1x!tpu.dma_semaphore, #tpu.memory_space<semaphore_mem>>
      %dma_start3A_256 = tpu.memref_squeeze %dma_start3A_255 : memref<1x!tpu.dma_semaphore, #tpu.memory_space<semaphore_mem>> -> memref<!tpu.dma_semaphore, #tpu.memory_space<semaphore_mem>>
      %dma_start3A_257 = arith.constant 12288 : i32
      %dma_start3A_258 = tpu.memref_slice %arg4[%select_n3A_110, %select_n3A_126, %dma_start3A_257] : memref<26x50x16384xf32, #tpu.memory_space<hbm>> -> memref<1x1x4096xf32, #tpu.memory_space<hbm>>
      %dma_start3A_259 = tpu.memref_squeeze %dma_start3A_258 : memref<1x1x4096xf32, #tpu.memory_space<hbm>> -> memref<4096xf32, #tpu.memory_space<hbm>>
      %dma_start3A_260 = arith.constant 0 : i32
      %dma_start3A_261 = tpu.memref_slice %arg7[%dma_start3A_247, %dma_start3A_260] : memref<2x4096xf32, #tpu.memory_space<vmem>> -> memref<1x4096xf32, #tpu.memory_space<vmem>>
      %dma_start3A_262 = tpu.memref_squeeze %dma_start3A_261 : memref<1x4096xf32, #tpu.memory_space<vmem>> -> memref<4096xf32, #tpu.memory_space<vmem>>
      tpu.enqueue_dma source(%dma_start3A_262 : memref<4096xf32, #tpu.memory_space<vmem>>) target(%dma_start3A_259 : memref<4096xf32, #tpu.memory_space<hbm>>) target_semaphore(%dma_start3A_256 : memref<!tpu.dma_semaphore, #tpu.memory_space<semaphore_mem>>)
      scf.yield %select_n3A_110 : i32
    }
    %while3A_17 = arith.constant 1 : i32
    %while3A_18 = scf.for %while3A_84 = %while3A_14 to %while3A_10 step %while3A_17 iter_args(%while3A_85 = %while3A_16) -> (i32)  : i32 {
      %add3A_86 = arith.addi %add3A_4, %while3A_84 : i32
      %jit3A_87 = arith.constant 50 : i32
      %div3A_88 = arith.divsi %add3A_86, %jit3A_87 : i32
      %sign3A_89 = arith.constant 0 : i32
      %sign3A_90 = arith.cmpi sgt, %add3A_86, %sign3A_89 : i32
      %sign3A_91 = arith.extui %sign3A_90 : i1 to i32
      %sign3A_92 = arith.constant 0 : i32
      %sign3A_93 = arith.cmpi slt, %add3A_86, %sign3A_92 : i32
      %sign3A_94 = arith.extui %sign3A_93 : i1 to i32
      %sign3A_95 = arith.subi %sign3A_91, %sign3A_94 : i32
      %sign3A_96 = arith.constant 0 : i32
      %sign3A_97 = arith.cmpi sgt, %jit3A_87, %sign3A_96 : i32
      %sign3A_98 = arith.extui %sign3A_97 : i1 to i32
      %sign3A_99 = arith.constant 0 : i32
      %sign3A_100 = arith.cmpi slt, %jit3A_87, %sign3A_99 : i32
      %sign3A_101 = arith.extui %sign3A_100 : i1 to i32
      %sign3A_102 = arith.subi %sign3A_98, %sign3A_101 : i32
      %ne3A_103 = arith.cmpi ne, %sign3A_95, %sign3A_102 : i32
      %rem3A_104 = arith.remsi %add3A_86, %jit3A_87 : i32
      %ne3A_105 = arith.constant 0 : i32
      %ne3A_106 = arith.cmpi ne, %rem3A_104, %ne3A_105 : i32
      %and3A_107 = arith.andi %ne3A_103, %ne3A_106 : i1
      %sub3A_108 = arith.constant 1 : i32
      %sub3A_109 = arith.subi %div3A_88, %sub3A_108 : i32
      %select_n3A_110 = arith.select %and3A_107, %sub3A_109, %div3A_88 : i32
      %jit3A_111 = arith.constant 50 : i32
      %eq3A_112 = arith.constant 0 : i32
      %eq3A_113 = arith.cmpi eq, %jit3A_111, %eq3A_112 : i32
      %jit3A_114 = arith.constant 1 : i32
      %select_n3A_115 = arith.select %eq3A_113, %jit3A_114, %jit3A_111 : i32
      %rem3A_116 = arith.remsi %add3A_86, %select_n3A_115 : i32
      %ne3A_117 = arith.constant 0 : i32
      %ne3A_118 = arith.cmpi ne, %rem3A_116, %ne3A_117 : i32
      %lt3A_119 = arith.constant 0 : i32
      %lt3A_120 = arith.cmpi slt, %rem3A_116, %lt3A_119 : i32
      %lt3A_121 = arith.constant 0 : i32
      %lt3A_122 = arith.cmpi slt, %select_n3A_115, %lt3A_121 : i32
      %ne3A_123 = arith.xori %lt3A_120, %lt3A_122 : i1
      %and3A_124 = arith.andi %ne3A_123, %ne3A_118 : i1
      %add3A_125 = arith.addi %rem3A_116, %select_n3A_115 : i32
      %select_n3A_126 = arith.select %and3A_124, %add3A_125, %rem3A_116 : i32
      %dma_start3A = arith.constant 0 : i32
      %dma_start3A_127 = arith.constant 0 : i32
      %dma_start3A_128 = tpu.memref_slice %arg3[%select_n3A_110, %select_n3A_126, %dma_start3A_127] : memref<26x50x100000xf32, #tpu.memory_space<hbm>> -> memref<1x1x100000xf32, #tpu.memory_space<hbm>>
      %dma_start3A_129 = tpu.memref_squeeze %dma_start3A_128 : memref<1x1x100000xf32, #tpu.memory_space<hbm>> -> memref<100000xf32, #tpu.memory_space<hbm>>
      %dma_start3A_130 = tpu.memref_slice %arg9[%dma_start3A] : memref<2x!tpu.dma_semaphore, #tpu.memory_space<semaphore_mem>> -> memref<1x!tpu.dma_semaphore, #tpu.memory_space<semaphore_mem>>
      %dma_start3A_131 = tpu.memref_squeeze %dma_start3A_130 : memref<1x!tpu.dma_semaphore, #tpu.memory_space<semaphore_mem>> -> memref<!tpu.dma_semaphore, #tpu.memory_space<semaphore_mem>>
      %dma_start3A_132 = arith.constant 0 : i32
      %dma_start3A_133 = tpu.memref_slice %arg3[%select_n3A_110, %select_n3A_126, %dma_start3A_132] : memref<26x50x100000xf32, #tpu.memory_space<hbm>> -> memref<1x1x100000xf32, #tpu.memory_space<hbm>>
      %dma_start3A_134 = tpu.memref_squeeze %dma_start3A_133 : memref<1x1x100000xf32, #tpu.memory_space<hbm>> -> memref<100000xf32, #tpu.memory_space<hbm>>
      tpu.enqueue_dma source(%dma_start3A_134 : memref<100000xf32, #tpu.memory_space<hbm>>) target(%arg5 : memref<100000xf32, #tpu.memory_space<vmem>>) target_semaphore(%dma_start3A_131 : memref<!tpu.dma_semaphore, #tpu.memory_space<semaphore_mem>>)
      %ne3A_135 = arith.cmpi ne, %select_n3A_110, %while3A_85 : i32
      %convert_element_type3A_136 = arith.extui %ne3A_135 : i1 to i32
      %cond3A = arith.constant 0 : i32
      %cond3A_137 = arith.cmpi ne, %convert_element_type3A_136, %cond3A : i32
      scf.if %cond3A_137 {
        "tpu.region"() ({
          %run_scoped3A = tpu.sem_alloc : memref<!tpu.dma_semaphore, #tpu.memory_space<semaphore_mem>>
          %dma_start3A_263 = arith.constant 0 : i32
          %dma_start3A_264 = tpu.memref_slice %arg2[%select_n3A_110, %dma_start3A_263] : memref<26x16384xi32, #tpu.memory_space<hbm>> -> memref<1x16384xi32, #tpu.memory_space<hbm>>
          %dma_start3A_265 = tpu.memref_squeeze %dma_start3A_264 : memref<1x16384xi32, #tpu.memory_space<hbm>> -> memref<16384xi32, #tpu.memory_space<hbm>>
          %dma_start3A_266 = arith.constant 0 : i32
          %dma_start3A_267 = tpu.memref_slice %arg2[%select_n3A_110, %dma_start3A_266] : memref<26x16384xi32, #tpu.memory_space<hbm>> -> memref<1x16384xi32, #tpu.memory_space<hbm>>
          %dma_start3A_268 = tpu.memref_squeeze %dma_start3A_267 : memref<1x16384xi32, #tpu.memory_space<hbm>> -> memref<16384xi32, #tpu.memory_space<hbm>>
          tpu.enqueue_dma source(%dma_start3A_268 : memref<16384xi32, #tpu.memory_space<hbm>>) target(%arg6 : memref<16384xi32, #tpu.memory_space<vmem>>) target_semaphore(%run_scoped3A : memref<!tpu.dma_semaphore, #tpu.memory_space<semaphore_mem>>)
          %dma_wait3A_269 = arith.constant 0 : i32
          %dma_wait3A_270 = tpu.memref_slice %arg2[%select_n3A_110, %dma_wait3A_269] : memref<26x16384xi32, #tpu.memory_space<hbm>> -> memref<1x16384xi32, #tpu.memory_space<hbm>>
          %dma_wait3A_271 = tpu.memref_squeeze %dma_wait3A_270 : memref<1x16384xi32, #tpu.memory_space<hbm>> -> memref<16384xi32, #tpu.memory_space<hbm>>
          %dma_wait3A_272 = arith.constant 0 : i32
          %dma_wait3A_273 = tpu.memref_slice %arg2[%select_n3A_110, %dma_wait3A_272] : memref<26x16384xi32, #tpu.memory_space<hbm>> -> memref<1x16384xi32, #tpu.memory_space<hbm>>
          %dma_wait3A_274 = tpu.memref_squeeze %dma_wait3A_273 : memref<1x16384xi32, #tpu.memory_space<hbm>> -> memref<16384xi32, #tpu.memory_space<hbm>>
          tpu.wait_dma2 semaphore(%run_scoped3A : memref<!tpu.dma_semaphore, #tpu.memory_space<semaphore_mem>>) src(%dma_wait3A_274 : memref<16384xi32, #tpu.memory_space<hbm>>) dst(%arg6 : memref<16384xi32, #tpu.memory_space<vmem>>)
          tpu.yield
        }) : () -> ()
      } else {
      }
      %dma_wait3A_138 = arith.constant 0 : i32
      %dma_wait3A_139 = arith.constant 0 : i32
      %dma_wait3A_140 = tpu.memref_slice %arg3[%select_n3A_110, %select_n3A_126, %dma_wait3A_139] : memref<26x50x100000xf32, #tpu.memory_space<hbm>> -> memref<1x1x100000xf32, #tpu.memory_space<hbm>>
      %dma_wait3A_141 = tpu.memref_squeeze %dma_wait3A_140 : memref<1x1x100000xf32, #tpu.memory_space<hbm>> -> memref<100000xf32, #tpu.memory_space<hbm>>
      %dma_wait3A_142 = tpu.memref_slice %arg9[%dma_wait3A_138] : memref<2x!tpu.dma_semaphore, #tpu.memory_space<semaphore_mem>> -> memref<1x!tpu.dma_semaphore, #tpu.memory_space<semaphore_mem>>
      %dma_wait3A_143 = tpu.memref_squeeze %dma_wait3A_142 : memref<1x!tpu.dma_semaphore, #tpu.memory_space<semaphore_mem>> -> memref<!tpu.dma_semaphore, #tpu.memory_space<semaphore_mem>>
      %dma_wait3A_144 = arith.constant 0 : i32
      %dma_wait3A_145 = tpu.memref_slice %arg3[%select_n3A_110, %select_n3A_126, %dma_wait3A_144] : memref<26x50x100000xf32, #tpu.memory_space<hbm>> -> memref<1x1x100000xf32, #tpu.memory_space<hbm>>
      %dma_wait3A_146 = tpu.memref_squeeze %dma_wait3A_145 : memref<1x1x100000xf32, #tpu.memory_space<hbm>> -> memref<100000xf32, #tpu.memory_space<hbm>>
      tpu.wait_dma2 semaphore(%dma_wait3A_143 : memref<!tpu.dma_semaphore, #tpu.memory_space<semaphore_mem>>) src(%dma_wait3A_146 : memref<100000xf32, #tpu.memory_space<hbm>>) dst(%arg5 : memref<100000xf32, #tpu.memory_space<vmem>>)
      %gt3A = arith.constant 0 : i32
      %gt3A_147 = arith.cmpi sgt, %while3A_84, %gt3A : i32
      %convert_element_type3A_148 = arith.extui %gt3A_147 : i1 to i32
      %cond3A_149 = arith.constant 0 : i32
      %cond3A_150 = arith.cmpi ne, %convert_element_type3A_148, %cond3A_149 : i32
      scf.if %cond3A_150 {
        %dma_wait3A_263 = arith.constant 0 : i32
        %dma_wait3A_264 = arith.constant 0 : i32
        %dma_wait3A_265 = arith.constant 0 : i32
        %dma_wait3A_266 = tpu.memref_slice %arg7[%dma_wait3A_263, %dma_wait3A_265] : memref<2x4096xf32, #tpu.memory_space<vmem>> -> memref<1x4096xf32, #tpu.memory_space<vmem>>
        %dma_wait3A_267 = tpu.memref_squeeze %dma_wait3A_266 : memref<1x4096xf32, #tpu.memory_space<vmem>> -> memref<4096xf32, #tpu.memory_space<vmem>>
        %dma_wait3A_268 = arith.constant 0 : i32
        %dma_wait3A_269 = tpu.memref_slice %arg4[%select_n3A_110, %select_n3A_126, %dma_wait3A_268] : memref<26x50x16384xf32, #tpu.memory_space<hbm>> -> memref<1x1x4096xf32, #tpu.memory_space<hbm>>
        %dma_wait3A_270 = tpu.memref_squeeze %dma_wait3A_269 : memref<1x1x4096xf32, #tpu.memory_space<hbm>> -> memref<4096xf32, #tpu.memory_space<hbm>>
        %dma_wait3A_271 = tpu.memref_slice %arg8[%dma_wait3A_264] : memref<2x!tpu.dma_semaphore, #tpu.memory_space<semaphore_mem>> -> memref<1x!tpu.dma_semaphore, #tpu.memory_space<semaphore_mem>>
        %dma_wait3A_272 = tpu.memref_squeeze %dma_wait3A_271 : memref<1x!tpu.dma_semaphore, #tpu.memory_space<semaphore_mem>> -> memref<!tpu.dma_semaphore, #tpu.memory_space<semaphore_mem>>
        %dma_wait3A_273 = arith.constant 0 : i32
        %dma_wait3A_274 = tpu.memref_slice %arg4[%select_n3A_110, %select_n3A_126, %dma_wait3A_273] : memref<26x50x16384xf32, #tpu.memory_space<hbm>> -> memref<1x1x4096xf32, #tpu.memory_space<hbm>>
        %dma_wait3A_275 = tpu.memref_squeeze %dma_wait3A_274 : memref<1x1x4096xf32, #tpu.memory_space<hbm>> -> memref<4096xf32, #tpu.memory_space<hbm>>
        %dma_wait3A_276 = arith.constant 0 : i32
        %dma_wait3A_277 = tpu.memref_slice %arg7[%dma_wait3A_263, %dma_wait3A_276] : memref<2x4096xf32, #tpu.memory_space<vmem>> -> memref<1x4096xf32, #tpu.memory_space<vmem>>
        %dma_wait3A_278 = tpu.memref_squeeze %dma_wait3A_277 : memref<1x4096xf32, #tpu.memory_space<vmem>> -> memref<4096xf32, #tpu.memory_space<vmem>>
        tpu.wait_dma2 semaphore(%dma_wait3A_272 : memref<!tpu.dma_semaphore, #tpu.memory_space<semaphore_mem>>) src(%dma_wait3A_278 : memref<4096xf32, #tpu.memory_space<vmem>>) dst(%dma_wait3A_275 : memref<4096xf32, #tpu.memory_space<hbm>>)
      } else {
      }
      %parallel_loop3A = arith.constant 0 : i32
      %parallel_loop3A_151 = arith.constant 4096 : i32
      %parallel_loop3A_152 = arith.constant 64 : i32
      scf.for %parallel_loop3A_263 = %parallel_loop3A to %parallel_loop3A_151 step %parallel_loop3A_152  : i32 {
        %parallel_loop3A_264 = arith.constant 0 : i32
        %parallel_loop3A_265 = arith.addi %parallel_loop3A_264, %parallel_loop3A_263 : i32
        %parallel_loop3A_266 = arith.constant 0 : i32
        %parallel_loop3A_267 = arith.addi %parallel_loop3A_265, %parallel_loop3A_266 : i32
        %parallel_loop3A_268 = arith.index_cast %parallel_loop3A_267 : i32 to index
        %parallel_loop3A_269 = tpu.vector_load %arg6[%parallel_loop3A_268] {strides = array<i32>} : memref<16384xi32, #tpu.memory_space<vmem>>, vector<16xi32>,
        %parallel_loop3A_270 = tpu.vector_load_idx %arg5[%parallel_loop3A_269] : memref<100000xf32, #tpu.memory_space<vmem>>[vector<16xi32>], vector<16xf32>,
        %parallel_loop3A_271 = arith.constant 0.000000e+00 : f32
        %parallel_loop3A_272 = vector.broadcast %parallel_loop3A_271 : f32 to vector<16xf32>
        %parallel_loop3A_273 = arith.maximumf %parallel_loop3A_270, %parallel_loop3A_272 : vector<16xf32>
        %parallel_loop3A_274 = arith.constant 0 : i32
        %parallel_loop3A_275 = arith.addi %parallel_loop3A_263, %parallel_loop3A_274 : i32
        %parallel_loop3A_276 = arith.constant 0 : i32
        %parallel_loop3A_277 = arith.index_cast %parallel_loop3A_276 : i32 to index
        %parallel_loop3A_278 = arith.index_cast %parallel_loop3A_275 : i32 to index
        %parallel_loop3A_279 = tpu.vector_load %arg7[%parallel_loop3A_277, %parallel_loop3A_278] {strides = array<i32>} : memref<2x4096xf32, #tpu.memory_space<vmem>>, vector<16xf32>,
        tpu.vector_store %arg7[%parallel_loop3A_277, %parallel_loop3A_278], %parallel_loop3A_273 {strides = array<i32>} : memref<2x4096xf32, #tpu.memory_space<vmem>>, vector<16xf32>,
        %parallel_loop3A_280 = arith.constant 0 : i32
        %parallel_loop3A_281 = arith.addi %parallel_loop3A_280, %parallel_loop3A_263 : i32
        %parallel_loop3A_282 = arith.constant 16 : i32
        %parallel_loop3A_283 = arith.addi %parallel_loop3A_281, %parallel_loop3A_282 : i32
        %parallel_loop3A_284 = arith.index_cast %parallel_loop3A_283 : i32 to index
        %parallel_loop3A_285 = tpu.vector_load %arg6[%parallel_loop3A_284] {strides = array<i32>} : memref<16384xi32, #tpu.memory_space<vmem>>, vector<16xi32>,
        %parallel_loop3A_286 = tpu.vector_load_idx %arg5[%parallel_loop3A_285] : memref<100000xf32, #tpu.memory_space<vmem>>[vector<16xi32>], vector<16xf32>,
        %parallel_loop3A_287 = arith.constant 0.000000e+00 : f32
        %parallel_loop3A_288 = vector.broadcast %parallel_loop3A_287 : f32 to vector<16xf32>
        %parallel_loop3A_289 = arith.maximumf %parallel_loop3A_286, %parallel_loop3A_288 : vector<16xf32>
        %parallel_loop3A_290 = arith.constant 16 : i32
        %parallel_loop3A_291 = arith.addi %parallel_loop3A_263, %parallel_loop3A_290 : i32
        %parallel_loop3A_292 = arith.constant 0 : i32
        %parallel_loop3A_293 = arith.index_cast %parallel_loop3A_292 : i32 to index
        %parallel_loop3A_294 = arith.index_cast %parallel_loop3A_291 : i32 to index
        %parallel_loop3A_295 = tpu.vector_load %arg7[%parallel_loop3A_293, %parallel_loop3A_294] {strides = array<i32>} : memref<2x4096xf32, #tpu.memory_space<vmem>>, vector<16xf32>,
        tpu.vector_store %arg7[%parallel_loop3A_293, %parallel_loop3A_294], %parallel_loop3A_289 {strides = array<i32>} : memref<2x4096xf32, #tpu.memory_space<vmem>>, vector<16xf32>,
        %parallel_loop3A_296 = arith.constant 0 : i32
        %parallel_loop3A_297 = arith.addi %parallel_loop3A_296, %parallel_loop3A_263 : i32
        %parallel_loop3A_298 = arith.constant 32 : i32
        %parallel_loop3A_299 = arith.addi %parallel_loop3A_297, %parallel_loop3A_298 : i32
        %parallel_loop3A_300 = arith.index_cast %parallel_loop3A_299 : i32 to index
        %parallel_loop3A_301 = tpu.vector_load %arg6[%parallel_loop3A_300] {strides = array<i32>} : memref<16384xi32, #tpu.memory_space<vmem>>, vector<16xi32>,
        %parallel_loop3A_302 = tpu.vector_load_idx %arg5[%parallel_loop3A_301] : memref<100000xf32, #tpu.memory_space<vmem>>[vector<16xi32>], vector<16xf32>,
        %parallel_loop3A_303 = arith.constant 0.000000e+00 : f32
        %parallel_loop3A_304 = vector.broadcast %parallel_loop3A_303 : f32 to vector<16xf32>
        %parallel_loop3A_305 = arith.maximumf %parallel_loop3A_302, %parallel_loop3A_304 : vector<16xf32>
        %parallel_loop3A_306 = arith.constant 32 : i32
        %parallel_loop3A_307 = arith.addi %parallel_loop3A_263, %parallel_loop3A_306 : i32
        %parallel_loop3A_308 = arith.constant 0 : i32
        %parallel_loop3A_309 = arith.index_cast %parallel_loop3A_308 : i32 to index
        %parallel_loop3A_310 = arith.index_cast %parallel_loop3A_307 : i32 to index
        %parallel_loop3A_311 = tpu.vector_load %arg7[%parallel_loop3A_309, %parallel_loop3A_310] {strides = array<i32>} : memref<2x4096xf32, #tpu.memory_space<vmem>>, vector<16xf32>,
        tpu.vector_store %arg7[%parallel_loop3A_309, %parallel_loop3A_310], %parallel_loop3A_305 {strides = array<i32>} : memref<2x4096xf32, #tpu.memory_space<vmem>>, vector<16xf32>,
        %parallel_loop3A_312 = arith.constant 0 : i32
        %parallel_loop3A_313 = arith.addi %parallel_loop3A_312, %parallel_loop3A_263 : i32
        %parallel_loop3A_314 = arith.constant 48 : i32
        %parallel_loop3A_315 = arith.addi %parallel_loop3A_313, %parallel_loop3A_314 : i32
        %parallel_loop3A_316 = arith.index_cast %parallel_loop3A_315 : i32 to index
        %parallel_loop3A_317 = tpu.vector_load %arg6[%parallel_loop3A_316] {strides = array<i32>} : memref<16384xi32, #tpu.memory_space<vmem>>, vector<16xi32>,
        %parallel_loop3A_318 = tpu.vector_load_idx %arg5[%parallel_loop3A_317] : memref<100000xf32, #tpu.memory_space<vmem>>[vector<16xi32>], vector<16xf32>,
        %parallel_loop3A_319 = arith.constant 0.000000e+00 : f32
        %parallel_loop3A_320 = vector.broadcast %parallel_loop3A_319 : f32 to vector<16xf32>
        %parallel_loop3A_321 = arith.maximumf %parallel_loop3A_318, %parallel_loop3A_320 : vector<16xf32>
        %parallel_loop3A_322 = arith.constant 48 : i32
        %parallel_loop3A_323 = arith.addi %parallel_loop3A_263, %parallel_loop3A_322 : i32
        %parallel_loop3A_324 = arith.constant 0 : i32
        %parallel_loop3A_325 = arith.index_cast %parallel_loop3A_324 : i32 to index
        %parallel_loop3A_326 = arith.index_cast %parallel_loop3A_323 : i32 to index
        %parallel_loop3A_327 = tpu.vector_load %arg7[%parallel_loop3A_325, %parallel_loop3A_326] {strides = array<i32>} : memref<2x4096xf32, #tpu.memory_space<vmem>>, vector<16xf32>,
        tpu.vector_store %arg7[%parallel_loop3A_325, %parallel_loop3A_326], %parallel_loop3A_321 {strides = array<i32>} : memref<2x4096xf32, #tpu.memory_space<vmem>>, vector<16xf32>,
      } {sc.loop_unroll_factor = 4 : i64, sc.parallel_access}
      %dma_start3A_153 = arith.constant 0 : i32
      %dma_start3A_154 = arith.constant 0 : i32
      %dma_start3A_155 = arith.constant 0 : i32
      %dma_start3A_156 = tpu.memref_slice %arg7[%dma_start3A_153, %dma_start3A_155] : memref<2x4096xf32, #tpu.memory_space<vmem>> -> memref<1x4096xf32, #tpu.memory_space<vmem>>
      %dma_start3A_157 = tpu.memref_squeeze %dma_start3A_156 : memref<1x4096xf32, #tpu.memory_space<vmem>> -> memref<4096xf32, #tpu.memory_space<vmem>>
      %dma_start3A_158 = arith.constant 0 : i32
      %dma_start3A_159 = tpu.memref_slice %arg4[%select_n3A_110, %select_n3A_126, %dma_start3A_158] : memref<26x50x16384xf32, #tpu.memory_space<hbm>> -> memref<1x1x4096xf32, #tpu.memory_space<hbm>>
      %dma_start3A_160 = tpu.memref_squeeze %dma_start3A_159 : memref<1x1x4096xf32, #tpu.memory_space<hbm>> -> memref<4096xf32, #tpu.memory_space<hbm>>
      %dma_start3A_161 = tpu.memref_slice %arg8[%dma_start3A_154] : memref<2x!tpu.dma_semaphore, #tpu.memory_space<semaphore_mem>> -> memref<1x!tpu.dma_semaphore, #tpu.memory_space<semaphore_mem>>
      %dma_start3A_162 = tpu.memref_squeeze %dma_start3A_161 : memref<1x!tpu.dma_semaphore, #tpu.memory_space<semaphore_mem>> -> memref<!tpu.dma_semaphore, #tpu.memory_space<semaphore_mem>>
      %dma_start3A_163 = arith.constant 0 : i32
      %dma_start3A_164 = tpu.memref_slice %arg4[%select_n3A_110, %select_n3A_126, %dma_start3A_163] : memref<26x50x16384xf32, #tpu.memory_space<hbm>> -> memref<1x1x4096xf32, #tpu.memory_space<hbm>>
      %dma_start3A_165 = tpu.memref_squeeze %dma_start3A_164 : memref<1x1x4096xf32, #tpu.memory_space<hbm>> -> memref<4096xf32, #tpu.memory_space<hbm>>
      %dma_start3A_166 = arith.constant 0 : i32
      %dma_start3A_167 = tpu.memref_slice %arg7[%dma_start3A_153, %dma_start3A_166] : memref<2x4096xf32, #tpu.memory_space<vmem>> -> memref<1x4096xf32, #tpu.memory_space<vmem>>
      %dma_start3A_168 = tpu.memref_squeeze %dma_start3A_167 : memref<1x4096xf32, #tpu.memory_space<vmem>> -> memref<4096xf32, #tpu.memory_space<vmem>>
      tpu.enqueue_dma source(%dma_start3A_168 : memref<4096xf32, #tpu.memory_space<vmem>>) target(%dma_start3A_165 : memref<4096xf32, #tpu.memory_space<hbm>>) target_semaphore(%dma_start3A_162 : memref<!tpu.dma_semaphore, #tpu.memory_space<semaphore_mem>>)
      %gt3A_169 = arith.constant 0 : i32
      %gt3A_170 = arith.cmpi sgt, %while3A_84, %gt3A_169 : i32
      %convert_element_type3A_171 = arith.extui %gt3A_170 : i1 to i32
      %cond3A_172 = arith.constant 0 : i32
      %cond3A_173 = arith.cmpi ne, %convert_element_type3A_171, %cond3A_172 : i32
      scf.if %cond3A_173 {
        %dma_wait3A_263 = arith.constant 1 : i32
        %dma_wait3A_264 = arith.constant 1 : i32
        %dma_wait3A_265 = arith.constant 0 : i32
        %dma_wait3A_266 = tpu.memref_slice %arg7[%dma_wait3A_263, %dma_wait3A_265] : memref<2x4096xf32, #tpu.memory_space<vmem>> -> memref<1x4096xf32, #tpu.memory_space<vmem>>
        %dma_wait3A_267 = tpu.memref_squeeze %dma_wait3A_266 : memref<1x4096xf32, #tpu.memory_space<vmem>> -> memref<4096xf32, #tpu.memory_space<vmem>>
        %dma_wait3A_268 = arith.constant 4096 : i32
        %dma_wait3A_269 = tpu.memref_slice %arg4[%select_n3A_110, %select_n3A_126, %dma_wait3A_268] : memref<26x50x16384xf32, #tpu.memory_space<hbm>> -> memref<1x1x4096xf32, #tpu.memory_space<hbm>>
        %dma_wait3A_270 = tpu.memref_squeeze %dma_wait3A_269 : memref<1x1x4096xf32, #tpu.memory_space<hbm>> -> memref<4096xf32, #tpu.memory_space<hbm>>
        %dma_wait3A_271 = tpu.memref_slice %arg8[%dma_wait3A_264] : memref<2x!tpu.dma_semaphore, #tpu.memory_space<semaphore_mem>> -> memref<1x!tpu.dma_semaphore, #tpu.memory_space<semaphore_mem>>
        %dma_wait3A_272 = tpu.memref_squeeze %dma_wait3A_271 : memref<1x!tpu.dma_semaphore, #tpu.memory_space<semaphore_mem>> -> memref<!tpu.dma_semaphore, #tpu.memory_space<semaphore_mem>>
        %dma_wait3A_273 = arith.constant 4096 : i32
        %dma_wait3A_274 = tpu.memref_slice %arg4[%select_n3A_110, %select_n3A_126, %dma_wait3A_273] : memref<26x50x16384xf32, #tpu.memory_space<hbm>> -> memref<1x1x4096xf32, #tpu.memory_space<hbm>>
        %dma_wait3A_275 = tpu.memref_squeeze %dma_wait3A_274 : memref<1x1x4096xf32, #tpu.memory_space<hbm>> -> memref<4096xf32, #tpu.memory_space<hbm>>
        %dma_wait3A_276 = arith.constant 0 : i32
        %dma_wait3A_277 = tpu.memref_slice %arg7[%dma_wait3A_263, %dma_wait3A_276] : memref<2x4096xf32, #tpu.memory_space<vmem>> -> memref<1x4096xf32, #tpu.memory_space<vmem>>
        %dma_wait3A_278 = tpu.memref_squeeze %dma_wait3A_277 : memref<1x4096xf32, #tpu.memory_space<vmem>> -> memref<4096xf32, #tpu.memory_space<vmem>>
        tpu.wait_dma2 semaphore(%dma_wait3A_272 : memref<!tpu.dma_semaphore, #tpu.memory_space<semaphore_mem>>) src(%dma_wait3A_278 : memref<4096xf32, #tpu.memory_space<vmem>>) dst(%dma_wait3A_275 : memref<4096xf32, #tpu.memory_space<hbm>>)
      } else {
      }
      %parallel_loop3A_174 = arith.constant 0 : i32
      %parallel_loop3A_175 = arith.constant 4096 : i32
      %parallel_loop3A_176 = arith.constant 64 : i32
      scf.for %parallel_loop3A_263 = %parallel_loop3A_174 to %parallel_loop3A_175 step %parallel_loop3A_176  : i32 {
        %parallel_loop3A_264 = arith.constant 4096 : i32
        %parallel_loop3A_265 = arith.addi %parallel_loop3A_264, %parallel_loop3A_263 : i32
        %parallel_loop3A_266 = arith.constant 0 : i32
        %parallel_loop3A_267 = arith.addi %parallel_loop3A_265, %parallel_loop3A_266 : i32
        %parallel_loop3A_268 = arith.index_cast %parallel_loop3A_267 : i32 to index
        %parallel_loop3A_269 = tpu.vector_load %arg6[%parallel_loop3A_268] {strides = array<i32>} : memref<16384xi32, #tpu.memory_space<vmem>>, vector<16xi32>,
        %parallel_loop3A_270 = tpu.vector_load_idx %arg5[%parallel_loop3A_269] : memref<100000xf32, #tpu.memory_space<vmem>>[vector<16xi32>], vector<16xf32>,
        %parallel_loop3A_271 = arith.constant 0.000000e+00 : f32
        %parallel_loop3A_272 = vector.broadcast %parallel_loop3A_271 : f32 to vector<16xf32>
        %parallel_loop3A_273 = arith.maximumf %parallel_loop3A_270, %parallel_loop3A_272 : vector<16xf32>
        %parallel_loop3A_274 = arith.constant 0 : i32
        %parallel_loop3A_275 = arith.addi %parallel_loop3A_263, %parallel_loop3A_274 : i32
        %parallel_loop3A_276 = arith.constant 1 : i32
        %parallel_loop3A_277 = arith.index_cast %parallel_loop3A_276 : i32 to index
        %parallel_loop3A_278 = arith.index_cast %parallel_loop3A_275 : i32 to index
        %parallel_loop3A_279 = tpu.vector_load %arg7[%parallel_loop3A_277, %parallel_loop3A_278] {strides = array<i32>} : memref<2x4096xf32, #tpu.memory_space<vmem>>, vector<16xf32>,
        tpu.vector_store %arg7[%parallel_loop3A_277, %parallel_loop3A_278], %parallel_loop3A_273 {strides = array<i32>} : memref<2x4096xf32, #tpu.memory_space<vmem>>, vector<16xf32>,
        %parallel_loop3A_280 = arith.constant 4096 : i32
        %parallel_loop3A_281 = arith.addi %parallel_loop3A_280, %parallel_loop3A_263 : i32
        %parallel_loop3A_282 = arith.constant 16 : i32
        %parallel_loop3A_283 = arith.addi %parallel_loop3A_281, %parallel_loop3A_282 : i32
        %parallel_loop3A_284 = arith.index_cast %parallel_loop3A_283 : i32 to index
        %parallel_loop3A_285 = tpu.vector_load %arg6[%parallel_loop3A_284] {strides = array<i32>} : memref<16384xi32, #tpu.memory_space<vmem>>, vector<16xi32>,
        %parallel_loop3A_286 = tpu.vector_load_idx %arg5[%parallel_loop3A_285] : memref<100000xf32, #tpu.memory_space<vmem>>[vector<16xi32>], vector<16xf32>,
        %parallel_loop3A_287 = arith.constant 0.000000e+00 : f32
        %parallel_loop3A_288 = vector.broadcast %parallel_loop3A_287 : f32 to vector<16xf32>
        %parallel_loop3A_289 = arith.maximumf %parallel_loop3A_286, %parallel_loop3A_288 : vector<16xf32>
        %parallel_loop3A_290 = arith.constant 16 : i32
        %parallel_loop3A_291 = arith.addi %parallel_loop3A_263, %parallel_loop3A_290 : i32
        %parallel_loop3A_292 = arith.constant 1 : i32
        %parallel_loop3A_293 = arith.index_cast %parallel_loop3A_292 : i32 to index
        %parallel_loop3A_294 = arith.index_cast %parallel_loop3A_291 : i32 to index
        %parallel_loop3A_295 = tpu.vector_load %arg7[%parallel_loop3A_293, %parallel_loop3A_294] {strides = array<i32>} : memref<2x4096xf32, #tpu.memory_space<vmem>>, vector<16xf32>,
        tpu.vector_store %arg7[%parallel_loop3A_293, %parallel_loop3A_294], %parallel_loop3A_289 {strides = array<i32>} : memref<2x4096xf32, #tpu.memory_space<vmem>>, vector<16xf32>,
        %parallel_loop3A_296 = arith.constant 4096 : i32
        %parallel_loop3A_297 = arith.addi %parallel_loop3A_296, %parallel_loop3A_263 : i32
        %parallel_loop3A_298 = arith.constant 32 : i32
        %parallel_loop3A_299 = arith.addi %parallel_loop3A_297, %parallel_loop3A_298 : i32
        %parallel_loop3A_300 = arith.index_cast %parallel_loop3A_299 : i32 to index
        %parallel_loop3A_301 = tpu.vector_load %arg6[%parallel_loop3A_300] {strides = array<i32>} : memref<16384xi32, #tpu.memory_space<vmem>>, vector<16xi32>,
        %parallel_loop3A_302 = tpu.vector_load_idx %arg5[%parallel_loop3A_301] : memref<100000xf32, #tpu.memory_space<vmem>>[vector<16xi32>], vector<16xf32>,
        %parallel_loop3A_303 = arith.constant 0.000000e+00 : f32
        %parallel_loop3A_304 = vector.broadcast %parallel_loop3A_303 : f32 to vector<16xf32>
        %parallel_loop3A_305 = arith.maximumf %parallel_loop3A_302, %parallel_loop3A_304 : vector<16xf32>
        %parallel_loop3A_306 = arith.constant 32 : i32
        %parallel_loop3A_307 = arith.addi %parallel_loop3A_263, %parallel_loop3A_306 : i32
        %parallel_loop3A_308 = arith.constant 1 : i32
        %parallel_loop3A_309 = arith.index_cast %parallel_loop3A_308 : i32 to index
        %parallel_loop3A_310 = arith.index_cast %parallel_loop3A_307 : i32 to index
        %parallel_loop3A_311 = tpu.vector_load %arg7[%parallel_loop3A_309, %parallel_loop3A_310] {strides = array<i32>} : memref<2x4096xf32, #tpu.memory_space<vmem>>, vector<16xf32>,
        tpu.vector_store %arg7[%parallel_loop3A_309, %parallel_loop3A_310], %parallel_loop3A_305 {strides = array<i32>} : memref<2x4096xf32, #tpu.memory_space<vmem>>, vector<16xf32>,
        %parallel_loop3A_312 = arith.constant 4096 : i32
        %parallel_loop3A_313 = arith.addi %parallel_loop3A_312, %parallel_loop3A_263 : i32
        %parallel_loop3A_314 = arith.constant 48 : i32
        %parallel_loop3A_315 = arith.addi %parallel_loop3A_313, %parallel_loop3A_314 : i32
        %parallel_loop3A_316 = arith.index_cast %parallel_loop3A_315 : i32 to index
        %parallel_loop3A_317 = tpu.vector_load %arg6[%parallel_loop3A_316] {strides = array<i32>} : memref<16384xi32, #tpu.memory_space<vmem>>, vector<16xi32>,
        %parallel_loop3A_318 = tpu.vector_load_idx %arg5[%parallel_loop3A_317] : memref<100000xf32, #tpu.memory_space<vmem>>[vector<16xi32>], vector<16xf32>,
        %parallel_loop3A_319 = arith.constant 0.000000e+00 : f32
        %parallel_loop3A_320 = vector.broadcast %parallel_loop3A_319 : f32 to vector<16xf32>
        %parallel_loop3A_321 = arith.maximumf %parallel_loop3A_318, %parallel_loop3A_320 : vector<16xf32>
        %parallel_loop3A_322 = arith.constant 48 : i32
        %parallel_loop3A_323 = arith.addi %parallel_loop3A_263, %parallel_loop3A_322 : i32
        %parallel_loop3A_324 = arith.constant 1 : i32
        %parallel_loop3A_325 = arith.index_cast %parallel_loop3A_324 : i32 to index
        %parallel_loop3A_326 = arith.index_cast %parallel_loop3A_323 : i32 to index
        %parallel_loop3A_327 = tpu.vector_load %arg7[%parallel_loop3A_325, %parallel_loop3A_326] {strides = array<i32>} : memref<2x4096xf32, #tpu.memory_space<vmem>>, vector<16xf32>,
        tpu.vector_store %arg7[%parallel_loop3A_325, %parallel_loop3A_326], %parallel_loop3A_321 {strides = array<i32>} : memref<2x4096xf32, #tpu.memory_space<vmem>>, vector<16xf32>,
      } {sc.loop_unroll_factor = 4 : i64, sc.parallel_access}
      %dma_start3A_177 = arith.constant 1 : i32
      %dma_start3A_178 = arith.constant 1 : i32
      %dma_start3A_179 = arith.constant 0 : i32
      %dma_start3A_180 = tpu.memref_slice %arg7[%dma_start3A_177, %dma_start3A_179] : memref<2x4096xf32, #tpu.memory_space<vmem>> -> memref<1x4096xf32, #tpu.memory_space<vmem>>
      %dma_start3A_181 = tpu.memref_squeeze %dma_start3A_180 : memref<1x4096xf32, #tpu.memory_space<vmem>> -> memref<4096xf32, #tpu.memory_space<vmem>>
      %dma_start3A_182 = arith.constant 4096 : i32
      %dma_start3A_183 = tpu.memref_slice %arg4[%select_n3A_110, %select_n3A_126, %dma_start3A_182] : memref<26x50x16384xf32, #tpu.memory_space<hbm>> -> memref<1x1x4096xf32, #tpu.memory_space<hbm>>
      %dma_start3A_184 = tpu.memref_squeeze %dma_start3A_183 : memref<1x1x4096xf32, #tpu.memory_space<hbm>> -> memref<4096xf32, #tpu.memory_space<hbm>>
      %dma_start3A_185 = tpu.memref_slice %arg8[%dma_start3A_178] : memref<2x!tpu.dma_semaphore, #tpu.memory_space<semaphore_mem>> -> memref<1x!tpu.dma_semaphore, #tpu.memory_space<semaphore_mem>>
      %dma_start3A_186 = tpu.memref_squeeze %dma_start3A_185 : memref<1x!tpu.dma_semaphore, #tpu.memory_space<semaphore_mem>> -> memref<!tpu.dma_semaphore, #tpu.memory_space<semaphore_mem>>
      %dma_start3A_187 = arith.constant 4096 : i32
      %dma_start3A_188 = tpu.memref_slice %arg4[%select_n3A_110, %select_n3A_126, %dma_start3A_187] : memref<26x50x16384xf32, #tpu.memory_space<hbm>> -> memref<1x1x4096xf32, #tpu.memory_space<hbm>>
      %dma_start3A_189 = tpu.memref_squeeze %dma_start3A_188 : memref<1x1x4096xf32, #tpu.memory_space<hbm>> -> memref<4096xf32, #tpu.memory_space<hbm>>
      %dma_start3A_190 = arith.constant 0 : i32
      %dma_start3A_191 = tpu.memref_slice %arg7[%dma_start3A_177, %dma_start3A_190] : memref<2x4096xf32, #tpu.memory_space<vmem>> -> memref<1x4096xf32, #tpu.memory_space<vmem>>
      %dma_start3A_192 = tpu.memref_squeeze %dma_start3A_191 : memref<1x4096xf32, #tpu.memory_space<vmem>> -> memref<4096xf32, #tpu.memory_space<vmem>>
      tpu.enqueue_dma source(%dma_start3A_192 : memref<4096xf32, #tpu.memory_space<vmem>>) target(%dma_start3A_189 : memref<4096xf32, #tpu.memory_space<hbm>>) target_semaphore(%dma_start3A_186 : memref<!tpu.dma_semaphore, #tpu.memory_space<semaphore_mem>>)
      %dma_wait3A_193 = arith.constant 0 : i32
      %dma_wait3A_194 = arith.constant 0 : i32
      %dma_wait3A_195 = arith.constant 0 : i32
      %dma_wait3A_196 = tpu.memref_slice %arg7[%dma_wait3A_193, %dma_wait3A_195] : memref<2x4096xf32, #tpu.memory_space<vmem>> -> memref<1x4096xf32, #tpu.memory_space<vmem>>
      %dma_wait3A_197 = tpu.memref_squeeze %dma_wait3A_196 : memref<1x4096xf32, #tpu.memory_space<vmem>> -> memref<4096xf32, #tpu.memory_space<vmem>>
      %dma_wait3A_198 = arith.constant 0 : i32
      %dma_wait3A_199 = tpu.memref_slice %arg4[%select_n3A_110, %select_n3A_126, %dma_wait3A_198] : memref<26x50x16384xf32, #tpu.memory_space<hbm>> -> memref<1x1x4096xf32, #tpu.memory_space<hbm>>
      %dma_wait3A_200 = tpu.memref_squeeze %dma_wait3A_199 : memref<1x1x4096xf32, #tpu.memory_space<hbm>> -> memref<4096xf32, #tpu.memory_space<hbm>>
      %dma_wait3A_201 = tpu.memref_slice %arg8[%dma_wait3A_194] : memref<2x!tpu.dma_semaphore, #tpu.memory_space<semaphore_mem>> -> memref<1x!tpu.dma_semaphore, #tpu.memory_space<semaphore_mem>>
      %dma_wait3A_202 = tpu.memref_squeeze %dma_wait3A_201 : memref<1x!tpu.dma_semaphore, #tpu.memory_space<semaphore_mem>> -> memref<!tpu.dma_semaphore, #tpu.memory_space<semaphore_mem>>
      %dma_wait3A_203 = arith.constant 0 : i32
      %dma_wait3A_204 = tpu.memref_slice %arg4[%select_n3A_110, %select_n3A_126, %dma_wait3A_203] : memref<26x50x16384xf32, #tpu.memory_space<hbm>> -> memref<1x1x4096xf32, #tpu.memory_space<hbm>>
      %dma_wait3A_205 = tpu.memref_squeeze %dma_wait3A_204 : memref<1x1x4096xf32, #tpu.memory_space<hbm>> -> memref<4096xf32, #tpu.memory_space<hbm>>
      %dma_wait3A_206 = arith.constant 0 : i32
      %dma_wait3A_207 = tpu.memref_slice %arg7[%dma_wait3A_193, %dma_wait3A_206] : memref<2x4096xf32, #tpu.memory_space<vmem>> -> memref<1x4096xf32, #tpu.memory_space<vmem>>
      %dma_wait3A_208 = tpu.memref_squeeze %dma_wait3A_207 : memref<1x4096xf32, #tpu.memory_space<vmem>> -> memref<4096xf32, #tpu.memory_space<vmem>>
      tpu.wait_dma2 semaphore(%dma_wait3A_202 : memref<!tpu.dma_semaphore, #tpu.memory_space<semaphore_mem>>) src(%dma_wait3A_208 : memref<4096xf32, #tpu.memory_space<vmem>>) dst(%dma_wait3A_205 : memref<4096xf32, #tpu.memory_space<hbm>>)
      %parallel_loop3A_209 = arith.constant 0 : i32
      %parallel_loop3A_210 = arith.constant 4096 : i32
      %parallel_loop3A_211 = arith.constant 64 : i32
      scf.for %parallel_loop3A_263 = %parallel_loop3A_209 to %parallel_loop3A_210 step %parallel_loop3A_211  : i32 {
        %parallel_loop3A_264 = arith.constant 8192 : i32
        %parallel_loop3A_265 = arith.addi %parallel_loop3A_264, %parallel_loop3A_263 : i32
        %parallel_loop3A_266 = arith.constant 0 : i32
        %parallel_loop3A_267 = arith.addi %parallel_loop3A_265, %parallel_loop3A_266 : i32
        %parallel_loop3A_268 = arith.index_cast %parallel_loop3A_267 : i32 to index
        %parallel_loop3A_269 = tpu.vector_load %arg6[%parallel_loop3A_268] {strides = array<i32>} : memref<16384xi32, #tpu.memory_space<vmem>>, vector<16xi32>,
        %parallel_loop3A_270 = tpu.vector_load_idx %arg5[%parallel_loop3A_269] : memref<100000xf32, #tpu.memory_space<vmem>>[vector<16xi32>], vector<16xf32>,
        %parallel_loop3A_271 = arith.constant 0.000000e+00 : f32
        %parallel_loop3A_272 = vector.broadcast %parallel_loop3A_271 : f32 to vector<16xf32>
        %parallel_loop3A_273 = arith.maximumf %parallel_loop3A_270, %parallel_loop3A_272 : vector<16xf32>
        %parallel_loop3A_274 = arith.constant 0 : i32
        %parallel_loop3A_275 = arith.addi %parallel_loop3A_263, %parallel_loop3A_274 : i32
        %parallel_loop3A_276 = arith.constant 0 : i32
        %parallel_loop3A_277 = arith.index_cast %parallel_loop3A_276 : i32 to index
        %parallel_loop3A_278 = arith.index_cast %parallel_loop3A_275 : i32 to index
        %parallel_loop3A_279 = tpu.vector_load %arg7[%parallel_loop3A_277, %parallel_loop3A_278] {strides = array<i32>} : memref<2x4096xf32, #tpu.memory_space<vmem>>, vector<16xf32>,
        tpu.vector_store %arg7[%parallel_loop3A_277, %parallel_loop3A_278], %parallel_loop3A_273 {strides = array<i32>} : memref<2x4096xf32, #tpu.memory_space<vmem>>, vector<16xf32>,
        %parallel_loop3A_280 = arith.constant 8192 : i32
        %parallel_loop3A_281 = arith.addi %parallel_loop3A_280, %parallel_loop3A_263 : i32
        %parallel_loop3A_282 = arith.constant 16 : i32
        %parallel_loop3A_283 = arith.addi %parallel_loop3A_281, %parallel_loop3A_282 : i32
        %parallel_loop3A_284 = arith.index_cast %parallel_loop3A_283 : i32 to index
        %parallel_loop3A_285 = tpu.vector_load %arg6[%parallel_loop3A_284] {strides = array<i32>} : memref<16384xi32, #tpu.memory_space<vmem>>, vector<16xi32>,
        %parallel_loop3A_286 = tpu.vector_load_idx %arg5[%parallel_loop3A_285] : memref<100000xf32, #tpu.memory_space<vmem>>[vector<16xi32>], vector<16xf32>,
        %parallel_loop3A_287 = arith.constant 0.000000e+00 : f32
        %parallel_loop3A_288 = vector.broadcast %parallel_loop3A_287 : f32 to vector<16xf32>
        %parallel_loop3A_289 = arith.maximumf %parallel_loop3A_286, %parallel_loop3A_288 : vector<16xf32>
        %parallel_loop3A_290 = arith.constant 16 : i32
        %parallel_loop3A_291 = arith.addi %parallel_loop3A_263, %parallel_loop3A_290 : i32
        %parallel_loop3A_292 = arith.constant 0 : i32
        %parallel_loop3A_293 = arith.index_cast %parallel_loop3A_292 : i32 to index
        %parallel_loop3A_294 = arith.index_cast %parallel_loop3A_291 : i32 to index
        %parallel_loop3A_295 = tpu.vector_load %arg7[%parallel_loop3A_293, %parallel_loop3A_294] {strides = array<i32>} : memref<2x4096xf32, #tpu.memory_space<vmem>>, vector<16xf32>,
        tpu.vector_store %arg7[%parallel_loop3A_293, %parallel_loop3A_294], %parallel_loop3A_289 {strides = array<i32>} : memref<2x4096xf32, #tpu.memory_space<vmem>>, vector<16xf32>,
        %parallel_loop3A_296 = arith.constant 8192 : i32
        %parallel_loop3A_297 = arith.addi %parallel_loop3A_296, %parallel_loop3A_263 : i32
        %parallel_loop3A_298 = arith.constant 32 : i32
        %parallel_loop3A_299 = arith.addi %parallel_loop3A_297, %parallel_loop3A_298 : i32
        %parallel_loop3A_300 = arith.index_cast %parallel_loop3A_299 : i32 to index
        %parallel_loop3A_301 = tpu.vector_load %arg6[%parallel_loop3A_300] {strides = array<i32>} : memref<16384xi32, #tpu.memory_space<vmem>>, vector<16xi32>,
        %parallel_loop3A_302 = tpu.vector_load_idx %arg5[%parallel_loop3A_301] : memref<100000xf32, #tpu.memory_space<vmem>>[vector<16xi32>], vector<16xf32>,
        %parallel_loop3A_303 = arith.constant 0.000000e+00 : f32
        %parallel_loop3A_304 = vector.broadcast %parallel_loop3A_303 : f32 to vector<16xf32>
        %parallel_loop3A_305 = arith.maximumf %parallel_loop3A_302, %parallel_loop3A_304 : vector<16xf32>
        %parallel_loop3A_306 = arith.constant 32 : i32
        %parallel_loop3A_307 = arith.addi %parallel_loop3A_263, %parallel_loop3A_306 : i32
        %parallel_loop3A_308 = arith.constant 0 : i32
        %parallel_loop3A_309 = arith.index_cast %parallel_loop3A_308 : i32 to index
        %parallel_loop3A_310 = arith.index_cast %parallel_loop3A_307 : i32 to index
        %parallel_loop3A_311 = tpu.vector_load %arg7[%parallel_loop3A_309, %parallel_loop3A_310] {strides = array<i32>} : memref<2x4096xf32, #tpu.memory_space<vmem>>, vector<16xf32>,
        tpu.vector_store %arg7[%parallel_loop3A_309, %parallel_loop3A_310], %parallel_loop3A_305 {strides = array<i32>} : memref<2x4096xf32, #tpu.memory_space<vmem>>, vector<16xf32>,
        %parallel_loop3A_312 = arith.constant 8192 : i32
        %parallel_loop3A_313 = arith.addi %parallel_loop3A_312, %parallel_loop3A_263 : i32
        %parallel_loop3A_314 = arith.constant 48 : i32
        %parallel_loop3A_315 = arith.addi %parallel_loop3A_313, %parallel_loop3A_314 : i32
        %parallel_loop3A_316 = arith.index_cast %parallel_loop3A_315 : i32 to index
        %parallel_loop3A_317 = tpu.vector_load %arg6[%parallel_loop3A_316] {strides = array<i32>} : memref<16384xi32, #tpu.memory_space<vmem>>, vector<16xi32>,
        %parallel_loop3A_318 = tpu.vector_load_idx %arg5[%parallel_loop3A_317] : memref<100000xf32, #tpu.memory_space<vmem>>[vector<16xi32>], vector<16xf32>,
        %parallel_loop3A_319 = arith.constant 0.000000e+00 : f32
        %parallel_loop3A_320 = vector.broadcast %parallel_loop3A_319 : f32 to vector<16xf32>
        %parallel_loop3A_321 = arith.maximumf %parallel_loop3A_318, %parallel_loop3A_320 : vector<16xf32>
        %parallel_loop3A_322 = arith.constant 48 : i32
        %parallel_loop3A_323 = arith.addi %parallel_loop3A_263, %parallel_loop3A_322 : i32
        %parallel_loop3A_324 = arith.constant 0 : i32
        %parallel_loop3A_325 = arith.index_cast %parallel_loop3A_324 : i32 to index
        %parallel_loop3A_326 = arith.index_cast %parallel_loop3A_323 : i32 to index
        %parallel_loop3A_327 = tpu.vector_load %arg7[%parallel_loop3A_325, %parallel_loop3A_326] {strides = array<i32>} : memref<2x4096xf32, #tpu.memory_space<vmem>>, vector<16xf32>,
        tpu.vector_store %arg7[%parallel_loop3A_325, %parallel_loop3A_326], %parallel_loop3A_321 {strides = array<i32>} : memref<2x4096xf32, #tpu.memory_space<vmem>>, vector<16xf32>,
      } {sc.loop_unroll_factor = 4 : i64, sc.parallel_access}
      %dma_start3A_212 = arith.constant 0 : i32
      %dma_start3A_213 = arith.constant 0 : i32
      %dma_start3A_214 = arith.constant 0 : i32
      %dma_start3A_215 = tpu.memref_slice %arg7[%dma_start3A_212, %dma_start3A_214] : memref<2x4096xf32, #tpu.memory_space<vmem>> -> memref<1x4096xf32, #tpu.memory_space<vmem>>
      %dma_start3A_216 = tpu.memref_squeeze %dma_start3A_215 : memref<1x4096xf32, #tpu.memory_space<vmem>> -> memref<4096xf32, #tpu.memory_space<vmem>>
      %dma_start3A_217 = arith.constant 8192 : i32
      %dma_start3A_218 = tpu.memref_slice %arg4[%select_n3A_110, %select_n3A_126, %dma_start3A_217] : memref<26x50x16384xf32, #tpu.memory_space<hbm>> -> memref<1x1x4096xf32, #tpu.memory_space<hbm>>
      %dma_start3A_219 = tpu.memref_squeeze %dma_start3A_218 : memref<1x1x4096xf32, #tpu.memory_space<hbm>> -> memref<4096xf32, #tpu.memory_space<hbm>>
      %dma_start3A_220 = tpu.memref_slice %arg8[%dma_start3A_213] : memref<2x!tpu.dma_semaphore, #tpu.memory_space<semaphore_mem>> -> memref<1x!tpu.dma_semaphore, #tpu.memory_space<semaphore_mem>>
      %dma_start3A_221 = tpu.memref_squeeze %dma_start3A_220 : memref<1x!tpu.dma_semaphore, #tpu.memory_space<semaphore_mem>> -> memref<!tpu.dma_semaphore, #tpu.memory_space<semaphore_mem>>
      %dma_start3A_222 = arith.constant 8192 : i32
      %dma_start3A_223 = tpu.memref_slice %arg4[%select_n3A_110, %select_n3A_126, %dma_start3A_222] : memref<26x50x16384xf32, #tpu.memory_space<hbm>> -> memref<1x1x4096xf32, #tpu.memory_space<hbm>>
      %dma_start3A_224 = tpu.memref_squeeze %dma_start3A_223 : memref<1x1x4096xf32, #tpu.memory_space<hbm>> -> memref<4096xf32, #tpu.memory_space<hbm>>
      %dma_start3A_225 = arith.constant 0 : i32
      %dma_start3A_226 = tpu.memref_slice %arg7[%dma_start3A_212, %dma_start3A_225] : memref<2x4096xf32, #tpu.memory_space<vmem>> -> memref<1x4096xf32, #tpu.memory_space<vmem>>
      %dma_start3A_227 = tpu.memref_squeeze %dma_start3A_226 : memref<1x4096xf32, #tpu.memory_space<vmem>> -> memref<4096xf32, #tpu.memory_space<vmem>>
      tpu.enqueue_dma source(%dma_start3A_227 : memref<4096xf32, #tpu.memory_space<vmem>>) target(%dma_start3A_224 : memref<4096xf32, #tpu.memory_space<hbm>>) target_semaphore(%dma_start3A_221 : memref<!tpu.dma_semaphore, #tpu.memory_space<semaphore_mem>>)
      %dma_wait3A_228 = arith.constant 1 : i32
      %dma_wait3A_229 = arith.constant 1 : i32
      %dma_wait3A_230 = arith.constant 0 : i32
      %dma_wait3A_231 = tpu.memref_slice %arg7[%dma_wait3A_228, %dma_wait3A_230] : memref<2x4096xf32, #tpu.memory_space<vmem>> -> memref<1x4096xf32, #tpu.memory_space<vmem>>
      %dma_wait3A_232 = tpu.memref_squeeze %dma_wait3A_231 : memref<1x4096xf32, #tpu.memory_space<vmem>> -> memref<4096xf32, #tpu.memory_space<vmem>>
      %dma_wait3A_233 = arith.constant 4096 : i32
      %dma_wait3A_234 = tpu.memref_slice %arg4[%select_n3A_110, %select_n3A_126, %dma_wait3A_233] : memref<26x50x16384xf32, #tpu.memory_space<hbm>> -> memref<1x1x4096xf32, #tpu.memory_space<hbm>>
      %dma_wait3A_235 = tpu.memref_squeeze %dma_wait3A_234 : memref<1x1x4096xf32, #tpu.memory_space<hbm>> -> memref<4096xf32, #tpu.memory_space<hbm>>
      %dma_wait3A_236 = tpu.memref_slice %arg8[%dma_wait3A_229] : memref<2x!tpu.dma_semaphore, #tpu.memory_space<semaphore_mem>> -> memref<1x!tpu.dma_semaphore, #tpu.memory_space<semaphore_mem>>
      %dma_wait3A_237 = tpu.memref_squeeze %dma_wait3A_236 : memref<1x!tpu.dma_semaphore, #tpu.memory_space<semaphore_mem>> -> memref<!tpu.dma_semaphore, #tpu.memory_space<semaphore_mem>>
      %dma_wait3A_238 = arith.constant 4096 : i32
      %dma_wait3A_239 = tpu.memref_slice %arg4[%select_n3A_110, %select_n3A_126, %dma_wait3A_238] : memref<26x50x16384xf32, #tpu.memory_space<hbm>> -> memref<1x1x4096xf32, #tpu.memory_space<hbm>>
      %dma_wait3A_240 = tpu.memref_squeeze %dma_wait3A_239 : memref<1x1x4096xf32, #tpu.memory_space<hbm>> -> memref<4096xf32, #tpu.memory_space<hbm>>
      %dma_wait3A_241 = arith.constant 0 : i32
      %dma_wait3A_242 = tpu.memref_slice %arg7[%dma_wait3A_228, %dma_wait3A_241] : memref<2x4096xf32, #tpu.memory_space<vmem>> -> memref<1x4096xf32, #tpu.memory_space<vmem>>
      %dma_wait3A_243 = tpu.memref_squeeze %dma_wait3A_242 : memref<1x4096xf32, #tpu.memory_space<vmem>> -> memref<4096xf32, #tpu.memory_space<vmem>>
      tpu.wait_dma2 semaphore(%dma_wait3A_237 : memref<!tpu.dma_semaphore, #tpu.memory_space<semaphore_mem>>) src(%dma_wait3A_243 : memref<4096xf32, #tpu.memory_space<vmem>>) dst(%dma_wait3A_240 : memref<4096xf32, #tpu.memory_space<hbm>>)
      %parallel_loop3A_244 = arith.constant 0 : i32
      %parallel_loop3A_245 = arith.constant 4096 : i32
      %parallel_loop3A_246 = arith.constant 64 : i32
      scf.for %parallel_loop3A_263 = %parallel_loop3A_244 to %parallel_loop3A_245 step %parallel_loop3A_246  : i32 {
        %parallel_loop3A_264 = arith.constant 12288 : i32
        %parallel_loop3A_265 = arith.addi %parallel_loop3A_264, %parallel_loop3A_263 : i32
        %parallel_loop3A_266 = arith.constant 0 : i32
        %parallel_loop3A_267 = arith.addi %parallel_loop3A_265, %parallel_loop3A_266 : i32
        %parallel_loop3A_268 = arith.index_cast %parallel_loop3A_267 : i32 to index
        %parallel_loop3A_269 = tpu.vector_load %arg6[%parallel_loop3A_268] {strides = array<i32>} : memref<16384xi32, #tpu.memory_space<vmem>>, vector<16xi32>,
        %parallel_loop3A_270 = tpu.vector_load_idx %arg5[%parallel_loop3A_269] : memref<100000xf32, #tpu.memory_space<vmem>>[vector<16xi32>], vector<16xf32>,
        %parallel_loop3A_271 = arith.constant 0.000000e+00 : f32
        %parallel_loop3A_272 = vector.broadcast %parallel_loop3A_271 : f32 to vector<16xf32>
        %parallel_loop3A_273 = arith.maximumf %parallel_loop3A_270, %parallel_loop3A_272 : vector<16xf32>
        %parallel_loop3A_274 = arith.constant 0 : i32
        %parallel_loop3A_275 = arith.addi %parallel_loop3A_263, %parallel_loop3A_274 : i32
        %parallel_loop3A_276 = arith.constant 1 : i32
        %parallel_loop3A_277 = arith.index_cast %parallel_loop3A_276 : i32 to index
        %parallel_loop3A_278 = arith.index_cast %parallel_loop3A_275 : i32 to index
        %parallel_loop3A_279 = tpu.vector_load %arg7[%parallel_loop3A_277, %parallel_loop3A_278] {strides = array<i32>} : memref<2x4096xf32, #tpu.memory_space<vmem>>, vector<16xf32>,
        tpu.vector_store %arg7[%parallel_loop3A_277, %parallel_loop3A_278], %parallel_loop3A_273 {strides = array<i32>} : memref<2x4096xf32, #tpu.memory_space<vmem>>, vector<16xf32>,
        %parallel_loop3A_280 = arith.constant 12288 : i32
        %parallel_loop3A_281 = arith.addi %parallel_loop3A_280, %parallel_loop3A_263 : i32
        %parallel_loop3A_282 = arith.constant 16 : i32
        %parallel_loop3A_283 = arith.addi %parallel_loop3A_281, %parallel_loop3A_282 : i32
        %parallel_loop3A_284 = arith.index_cast %parallel_loop3A_283 : i32 to index
        %parallel_loop3A_285 = tpu.vector_load %arg6[%parallel_loop3A_284] {strides = array<i32>} : memref<16384xi32, #tpu.memory_space<vmem>>, vector<16xi32>,
        %parallel_loop3A_286 = tpu.vector_load_idx %arg5[%parallel_loop3A_285] : memref<100000xf32, #tpu.memory_space<vmem>>[vector<16xi32>], vector<16xf32>,
        %parallel_loop3A_287 = arith.constant 0.000000e+00 : f32
        %parallel_loop3A_288 = vector.broadcast %parallel_loop3A_287 : f32 to vector<16xf32>
        %parallel_loop3A_289 = arith.maximumf %parallel_loop3A_286, %parallel_loop3A_288 : vector<16xf32>
        %parallel_loop3A_290 = arith.constant 16 : i32
        %parallel_loop3A_291 = arith.addi %parallel_loop3A_263, %parallel_loop3A_290 : i32
        %parallel_loop3A_292 = arith.constant 1 : i32
        %parallel_loop3A_293 = arith.index_cast %parallel_loop3A_292 : i32 to index
        %parallel_loop3A_294 = arith.index_cast %parallel_loop3A_291 : i32 to index
        %parallel_loop3A_295 = tpu.vector_load %arg7[%parallel_loop3A_293, %parallel_loop3A_294] {strides = array<i32>} : memref<2x4096xf32, #tpu.memory_space<vmem>>, vector<16xf32>,
        tpu.vector_store %arg7[%parallel_loop3A_293, %parallel_loop3A_294], %parallel_loop3A_289 {strides = array<i32>} : memref<2x4096xf32, #tpu.memory_space<vmem>>, vector<16xf32>,
        %parallel_loop3A_296 = arith.constant 12288 : i32
        %parallel_loop3A_297 = arith.addi %parallel_loop3A_296, %parallel_loop3A_263 : i32
        %parallel_loop3A_298 = arith.constant 32 : i32
        %parallel_loop3A_299 = arith.addi %parallel_loop3A_297, %parallel_loop3A_298 : i32
        %parallel_loop3A_300 = arith.index_cast %parallel_loop3A_299 : i32 to index
        %parallel_loop3A_301 = tpu.vector_load %arg6[%parallel_loop3A_300] {strides = array<i32>} : memref<16384xi32, #tpu.memory_space<vmem>>, vector<16xi32>,
        %parallel_loop3A_302 = tpu.vector_load_idx %arg5[%parallel_loop3A_301] : memref<100000xf32, #tpu.memory_space<vmem>>[vector<16xi32>], vector<16xf32>,
        %parallel_loop3A_303 = arith.constant 0.000000e+00 : f32
        %parallel_loop3A_304 = vector.broadcast %parallel_loop3A_303 : f32 to vector<16xf32>
        %parallel_loop3A_305 = arith.maximumf %parallel_loop3A_302, %parallel_loop3A_304 : vector<16xf32>
        %parallel_loop3A_306 = arith.constant 32 : i32
        %parallel_loop3A_307 = arith.addi %parallel_loop3A_263, %parallel_loop3A_306 : i32
        %parallel_loop3A_308 = arith.constant 1 : i32
        %parallel_loop3A_309 = arith.index_cast %parallel_loop3A_308 : i32 to index
        %parallel_loop3A_310 = arith.index_cast %parallel_loop3A_307 : i32 to index
        %parallel_loop3A_311 = tpu.vector_load %arg7[%parallel_loop3A_309, %parallel_loop3A_310] {strides = array<i32>} : memref<2x4096xf32, #tpu.memory_space<vmem>>, vector<16xf32>,
        tpu.vector_store %arg7[%parallel_loop3A_309, %parallel_loop3A_310], %parallel_loop3A_305 {strides = array<i32>} : memref<2x4096xf32, #tpu.memory_space<vmem>>, vector<16xf32>,
        %parallel_loop3A_312 = arith.constant 12288 : i32
        %parallel_loop3A_313 = arith.addi %parallel_loop3A_312, %parallel_loop3A_263 : i32
        %parallel_loop3A_314 = arith.constant 48 : i32
        %parallel_loop3A_315 = arith.addi %parallel_loop3A_313, %parallel_loop3A_314 : i32
        %parallel_loop3A_316 = arith.index_cast %parallel_loop3A_315 : i32 to index
        %parallel_loop3A_317 = tpu.vector_load %arg6[%parallel_loop3A_316] {strides = array<i32>} : memref<16384xi32, #tpu.memory_space<vmem>>, vector<16xi32>,
        %parallel_loop3A_318 = tpu.vector_load_idx %arg5[%parallel_loop3A_317] : memref<100000xf32, #tpu.memory_space<vmem>>[vector<16xi32>], vector<16xf32>,
        %parallel_loop3A_319 = arith.constant 0.000000e+00 : f32
        %parallel_loop3A_320 = vector.broadcast %parallel_loop3A_319 : f32 to vector<16xf32>
        %parallel_loop3A_321 = arith.maximumf %parallel_loop3A_318, %parallel_loop3A_320 : vector<16xf32>
        %parallel_loop3A_322 = arith.constant 48 : i32
        %parallel_loop3A_323 = arith.addi %parallel_loop3A_263, %parallel_loop3A_322 : i32
        %parallel_loop3A_324 = arith.constant 1 : i32
        %parallel_loop3A_325 = arith.index_cast %parallel_loop3A_324 : i32 to index
        %parallel_loop3A_326 = arith.index_cast %parallel_loop3A_323 : i32 to index
        %parallel_loop3A_327 = tpu.vector_load %arg7[%parallel_loop3A_325, %parallel_loop3A_326] {strides = array<i32>} : memref<2x4096xf32, #tpu.memory_space<vmem>>, vector<16xf32>,
        tpu.vector_store %arg7[%parallel_loop3A_325, %parallel_loop3A_326], %parallel_loop3A_321 {strides = array<i32>} : memref<2x4096xf32, #tpu.memory_space<vmem>>, vector<16xf32>,
      } {sc.loop_unroll_factor = 4 : i64, sc.parallel_access}
      %dma_start3A_247 = arith.constant 1 : i32
      %dma_start3A_248 = arith.constant 1 : i32
      %dma_start3A_249 = arith.constant 0 : i32
      %dma_start3A_250 = tpu.memref_slice %arg7[%dma_start3A_247, %dma_start3A_249] : memref<2x4096xf32, #tpu.memory_space<vmem>> -> memref<1x4096xf32, #tpu.memory_space<vmem>>
      %dma_start3A_251 = tpu.memref_squeeze %dma_start3A_250 : memref<1x4096xf32, #tpu.memory_space<vmem>> -> memref<4096xf32, #tpu.memory_space<vmem>>
      %dma_start3A_252 = arith.constant 12288 : i32
      %dma_start3A_253 = tpu.memref_slice %arg4[%select_n3A_110, %select_n3A_126, %dma_start3A_252] : memref<26x50x16384xf32, #tpu.memory_space<hbm>> -> memref<1x1x4096xf32, #tpu.memory_space<hbm>>
      %dma_start3A_254 = tpu.memref_squeeze %dma_start3A_253 : memref<1x1x4096xf32, #tpu.memory_space<hbm>> -> memref<4096xf32, #tpu.memory_space<hbm>>
      %dma_start3A_255 = tpu.memref_slice %arg8[%dma_start3A_248] : memref<2x!tpu.dma_semaphore, #tpu.memory_space<semaphore_mem>> -> memref<1x!tpu.dma_semaphore, #tpu.memory_space<semaphore_mem>>
      %dma_start3A_256 = tpu.memref_squeeze %dma_start3A_255 : memref<1x!tpu.dma_semaphore, #tpu.memory_space<semaphore_mem>> -> memref<!tpu.dma_semaphore, #tpu.memory_space<semaphore_mem>>
      %dma_start3A_257 = arith.constant 12288 : i32
      %dma_start3A_258 = tpu.memref_slice %arg4[%select_n3A_110, %select_n3A_126, %dma_start3A_257] : memref<26x50x16384xf32, #tpu.memory_space<hbm>> -> memref<1x1x4096xf32, #tpu.memory_space<hbm>>
      %dma_start3A_259 = tpu.memref_squeeze %dma_start3A_258 : memref<1x1x4096xf32, #tpu.memory_space<hbm>> -> memref<4096xf32, #tpu.memory_space<hbm>>
      %dma_start3A_260 = arith.constant 0 : i32
      %dma_start3A_261 = tpu.memref_slice %arg7[%dma_start3A_247, %dma_start3A_260] : memref<2x4096xf32, #tpu.memory_space<vmem>> -> memref<1x4096xf32, #tpu.memory_space<vmem>>
      %dma_start3A_262 = tpu.memref_squeeze %dma_start3A_261 : memref<1x4096xf32, #tpu.memory_space<vmem>> -> memref<4096xf32, #tpu.memory_space<vmem>>
      tpu.enqueue_dma source(%dma_start3A_262 : memref<4096xf32, #tpu.memory_space<vmem>>) target(%dma_start3A_259 : memref<4096xf32, #tpu.memory_space<hbm>>) target_semaphore(%dma_start3A_256 : memref<!tpu.dma_semaphore, #tpu.memory_space<semaphore_mem>>)
      scf.yield %select_n3A_110 : i32
    }
    %add3A_19 = arith.addi %add3A_4, %add3A_7 : i32
    %sub3A = arith.constant 1 : i32
    %sub3A_20 = arith.subi %add3A_19, %sub3A : i32
    %jit3A = arith.constant 50 : i32
    %div3A = arith.divsi %sub3A_20, %jit3A : i32
    %sign3A = arith.constant 0 : i32
    %sign3A_21 = arith.cmpi sgt, %sub3A_20, %sign3A : i32
    %sign3A_22 = arith.extui %sign3A_21 : i1 to i32
    %sign3A_23 = arith.constant 0 : i32
    %sign3A_24 = arith.cmpi slt, %sub3A_20, %sign3A_23 : i32
    %sign3A_25 = arith.extui %sign3A_24 : i1 to i32
    %sign3A_26 = arith.subi %sign3A_22, %sign3A_25 : i32
    %sign3A_27 = arith.constant 0 : i32
    %sign3A_28 = arith.cmpi sgt, %jit3A, %sign3A_27 : i32
    %sign3A_29 = arith.extui %sign3A_28 : i1 to i32
    %sign3A_30 = arith.constant 0 : i32
    %sign3A_31 = arith.cmpi slt, %jit3A, %sign3A_30 : i32
    %sign3A_32 = arith.extui %sign3A_31 : i1 to i32
    %sign3A_33 = arith.subi %sign3A_29, %sign3A_32 : i32
    %ne3A = arith.cmpi ne, %sign3A_26, %sign3A_33 : i32
    %rem3A = arith.remsi %sub3A_20, %jit3A : i32
    %ne3A_34 = arith.constant 0 : i32
    %ne3A_35 = arith.cmpi ne, %rem3A, %ne3A_34 : i32
    %and3A = arith.andi %ne3A, %ne3A_35 : i1
    %sub3A_36 = arith.constant 1 : i32
    %sub3A_37 = arith.subi %div3A, %sub3A_36 : i32
    %select_n3A = arith.select %and3A, %sub3A_37, %div3A : i32
    %jit3A_38 = arith.constant 50 : i32
    %eq3A = arith.constant 0 : i32
    %eq3A_39 = arith.cmpi eq, %jit3A_38, %eq3A : i32
    %jit3A_40 = arith.constant 1 : i32
    %select_n3A_41 = arith.select %eq3A_39, %jit3A_40, %jit3A_38 : i32
    %rem3A_42 = arith.remsi %sub3A_20, %select_n3A_41 : i32
    %ne3A_43 = arith.constant 0 : i32
    %ne3A_44 = arith.cmpi ne, %rem3A_42, %ne3A_43 : i32
    %lt3A_45 = arith.constant 0 : i32
    %lt3A_46 = arith.cmpi slt, %rem3A_42, %lt3A_45 : i32
    %lt3A_47 = arith.constant 0 : i32
    %lt3A_48 = arith.cmpi slt, %select_n3A_41, %lt3A_47 : i32
    %ne3A_49 = arith.xori %lt3A_46, %lt3A_48 : i1
    %and3A_50 = arith.andi %ne3A_49, %ne3A_44 : i1
    %add3A_51 = arith.addi %rem3A_42, %select_n3A_41 : i32
    %select_n3A_52 = arith.select %and3A_50, %add3A_51, %rem3A_42 : i32
    %dma_wait3A = arith.constant 0 : i32
    %dma_wait3A_53 = arith.constant 0 : i32
    %dma_wait3A_54 = arith.constant 0 : i32
    %dma_wait3A_55 = tpu.memref_slice %arg7[%dma_wait3A, %dma_wait3A_54] : memref<2x4096xf32, #tpu.memory_space<vmem>> -> memref<1x4096xf32, #tpu.memory_space<vmem>>
    %dma_wait3A_56 = tpu.memref_squeeze %dma_wait3A_55 : memref<1x4096xf32, #tpu.memory_space<vmem>> -> memref<4096xf32, #tpu.memory_space<vmem>>
    %dma_wait3A_57 = arith.constant 8192 : i32
    %dma_wait3A_58 = tpu.memref_slice %arg4[%select_n3A, %select_n3A_52, %dma_wait3A_57] : memref<26x50x16384xf32, #tpu.memory_space<hbm>> -> memref<1x1x4096xf32, #tpu.memory_space<hbm>>
    %dma_wait3A_59 = tpu.memref_squeeze %dma_wait3A_58 : memref<1x1x4096xf32, #tpu.memory_space<hbm>> -> memref<4096xf32, #tpu.memory_space<hbm>>
    %dma_wait3A_60 = tpu.memref_slice %arg8[%dma_wait3A_53] : memref<2x!tpu.dma_semaphore, #tpu.memory_space<semaphore_mem>> -> memref<1x!tpu.dma_semaphore, #tpu.memory_space<semaphore_mem>>
    %dma_wait3A_61 = tpu.memref_squeeze %dma_wait3A_60 : memref<1x!tpu.dma_semaphore, #tpu.memory_space<semaphore_mem>> -> memref<!tpu.dma_semaphore, #tpu.memory_space<semaphore_mem>>
    %dma_wait3A_62 = arith.constant 8192 : i32
    %dma_wait3A_63 = tpu.memref_slice %arg4[%select_n3A, %select_n3A_52, %dma_wait3A_62] : memref<26x50x16384xf32, #tpu.memory_space<hbm>> -> memref<1x1x4096xf32, #tpu.memory_space<hbm>>
    %dma_wait3A_64 = tpu.memref_squeeze %dma_wait3A_63 : memref<1x1x4096xf32, #tpu.memory_space<hbm>> -> memref<4096xf32, #tpu.memory_space<hbm>>
    %dma_wait3A_65 = arith.constant 0 : i32
    %dma_wait3A_66 = tpu.memref_slice %arg7[%dma_wait3A, %dma_wait3A_65] : memref<2x4096xf32, #tpu.memory_space<vmem>> -> memref<1x4096xf32, #tpu.memory_space<vmem>>
    %dma_wait3A_67 = tpu.memref_squeeze %dma_wait3A_66 : memref<1x4096xf32, #tpu.memory_space<vmem>> -> memref<4096xf32, #tpu.memory_space<vmem>>
    tpu.wait_dma2 semaphore(%dma_wait3A_61 : memref<!tpu.dma_semaphore, #tpu.memory_space<semaphore_mem>>) src(%dma_wait3A_67 : memref<4096xf32, #tpu.memory_space<vmem>>) dst(%dma_wait3A_64 : memref<4096xf32, #tpu.memory_space<hbm>>)
    %dma_wait3A_68 = arith.constant 1 : i32
    %dma_wait3A_69 = arith.constant 1 : i32
    %dma_wait3A_70 = arith.constant 0 : i32
    %dma_wait3A_71 = tpu.memref_slice %arg7[%dma_wait3A_68, %dma_wait3A_70] : memref<2x4096xf32, #tpu.memory_space<vmem>> -> memref<1x4096xf32, #tpu.memory_space<vmem>>
    %dma_wait3A_72 = tpu.memref_squeeze %dma_wait3A_71 : memref<1x4096xf32, #tpu.memory_space<vmem>> -> memref<4096xf32, #tpu.memory_space<vmem>>
    %dma_wait3A_73 = arith.constant 12288 : i32
    %dma_wait3A_74 = tpu.memref_slice %arg4[%select_n3A, %select_n3A_52, %dma_wait3A_73] : memref<26x50x16384xf32, #tpu.memory_space<hbm>> -> memref<1x1x4096xf32, #tpu.memory_space<hbm>>
    %dma_wait3A_75 = tpu.memref_squeeze %dma_wait3A_74 : memref<1x1x4096xf32, #tpu.memory_space<hbm>> -> memref<4096xf32, #tpu.memory_space<hbm>>
    %dma_wait3A_76 = tpu.memref_slice %arg8[%dma_wait3A_69] : memref<2x!tpu.dma_semaphore, #tpu.memory_space<semaphore_mem>> -> memref<1x!tpu.dma_semaphore, #tpu.memory_space<semaphore_mem>>
    %dma_wait3A_77 = tpu.memref_squeeze %dma_wait3A_76 : memref<1x!tpu.dma_semaphore, #tpu.memory_space<semaphore_mem>> -> memref<!tpu.dma_semaphore, #tpu.memory_space<semaphore_mem>>
    %dma_wait3A_78 = arith.constant 12288 : i32
    %dma_wait3A_79 = tpu.memref_slice %arg4[%select_n3A, %select_n3A_52, %dma_wait3A_78] : memref<26x50x16384xf32, #tpu.memory_space<hbm>> -> memref<1x1x4096xf32, #tpu.memory_space<hbm>>
    %dma_wait3A_80 = tpu.memref_squeeze %dma_wait3A_79 : memref<1x1x4096xf32, #tpu.memory_space<hbm>> -> memref<4096xf32, #tpu.memory_space<hbm>>
    %dma_wait3A_81 = arith.constant 0 : i32
    %dma_wait3A_82 = tpu.memref_slice %arg7[%dma_wait3A_68, %dma_wait3A_81] : memref<2x4096xf32, #tpu.memory_space<vmem>> -> memref<1x4096xf32, #tpu.memory_space<vmem>>
    %dma_wait3A_83 = tpu.memref_squeeze %dma_wait3A_82 : memref<1x4096xf32, #tpu.memory_space<vmem>> -> memref<4096xf32, #tpu.memory_space<vmem>>
    tpu.wait_dma2 semaphore(%dma_wait3A_77 : memref<!tpu.dma_semaphore, #tpu.memory_space<semaphore_mem>>) src(%dma_wait3A_83 : memref<4096xf32, #tpu.memory_space<vmem>>) dst(%dma_wait3A_80 : memref<4096xf32, #tpu.memory_space<hbm>>)
    return
  }
}

</mosaic_0001>

<sc_bundles>
// kernel: kernel.3.cloned.1.call-start
scs
__scs_entry_jumppad:
0x0: {  	(pc) =	sbr.rel $0x88, $3  }
0x1: {  	(tag) =	ssettag $0x0;
	lr =	simm.s32 $0x1  }
0x2: {  	[smem:$0x3F9F] =	sst lr;
	_ =	strace $0xD0000000  }
0x3: {  	_ = 	snop  }
0x4: {  	_ = 	snop  }
0x5: {  	_ = 	snop  }
0x6: {  	_ = 	snop  }
0x7: {  	_ = 	snop  }
__scs_overlays_trampoline_lowered:
0x8: {  	[smem:$0x3FAE] =	sst s0  }
0x9: {  	[smem:$0x3FAF] =	sst s1  }
0xa: {  	[smem:$0x3FB0] =	sst s2  }
0xb: {  	[smem:$0x3FB1] =	sst s3  }
0xc: {  	[smem:$0x3FB2] =	sst s4  }
0xd: {  	[smem:$0x3FB3] =	sst s5  }
0xe: {  	[smem:$0x3FB4] =	sst s6  }
0xf: {  	[smem:$0x3FB5] =	sst s7  }
0x10: {  	[smem:$0x3FB6] =	sst s8  }
0x11: {  	[smem:$0x3FB7] =	sst s9;
	s0 =	simm.s32 @!p0 $0x0  }
0x12: {  	s1 =	sld [smem:$0x3F9D];
	s0 =	simm.s32 @p0 $0x1  }
0x13: {  	[smem:$0x3FB8] =	sst s0;
	s0 =	simm.s32 @!p1 $0x0  }
0x14: {  	s2 =	sld [smem:$0x3F9C];
	s0 =	simm.s32 @p1 $0x1  }
0x15: {  	[smem:$0x3FB9] =	sst s0;
	s0 =	simm.s32 @!p2 $0x0  }
0x16: {  	s3 =	sld [smem:$0x3FDB];
	s0 =	simm.s32 @p2 $0x1  }
0x17: {  	s4 =	simm.s32 $0x1BF5;
	[smem:$0x3FBB] =	sst s0  }
0x18: {  	s0 =	sld [smem:$0x3F9E];
	_ =	swait.ge [sflag:s4], $0x0  }
0x19: {  	s7 =	sld [smem:$0x3F9F]  }
0x1a: {  	s8 =	sadd.s32 $0xFFFFE003, lr  }
0x1b: {  	s9 =	sadd.s32 $0xFFFFFEF7, lr;
	s5 =	simm.s32 $0xFFFFFFFF;
	p2 =	slt.u32 s8, $0xFFFFF086  }
0x1c: {  	p1 =	slt.u32 s9, $0xF7A;
	s5 =	simm.s32 @!p2 $0x0  }
0x1d: {  	s5 =	simm.s32 @p1 $0x1;
	p0 =	seq.s32 s7, s2  }
0x1e: {  	s7 =	smul.u32 @!p0 $0xF7A, s2;
	p2 =	seq.s32 @!p0 s5, $0x0  }
0x1f: {  	s9 =	smul.u32 $0xF7A, s1;
	s8 =	simm.s32 @!p0 $0x1BF5;
	p2 =	por !p2, p0  }
0x20: {  	[sflag:s8] =	ssyncset.s32 @!p0 $0xFFFFF086;
	s6 =	sadd.s32 @!p0 s3, s7;
	s7 =	simm.s32 @!p0 $0x108  }
0x21: {  	s3 =	sadd.s32 s3, s9;
	s6 =	sadd.s32 @!p0 $0x88, s6;
	s7 =	simm.s32 @p2 $0x1082  }
0x22: {  	[simem:s7], [sflag:s8] =	dma.local @!p0 [hbm:s6], $0xF7A  }
0x23: {  	s9 =	sor.u32 $0xD0000000, s2;
	s6 =	simm.s32 $0x108;
	_ =	swait.ge @!p0 [sflag:s8], $0x0  }
0x24: {  	s3 =	sadd.s32 $0x88, s3;
	s6 =	simm.s32 @!p1 $0x1082;
	[sflag:s4] =	ssyncset.s32 $0xFFFFF086  }
0x25: {  	[simem:s6], [sflag:s4] =	dma.local [hbm:s3], $0xF7A  }
0x26: {  	[smem:$0x3F9F] =	sst s1;
	(tag) =	ssettag s2;
	_ =	strace s9  }
0x27: {  	s1 =	sld [smem:$0x3FAF]  }
0x28: {  	s2 =	sld [smem:$0x3FB0]  }
0x29: {  	s4 =	sld [smem:$0x3FB2]  }
0x2a: {  	p0 =	seq.s32 s5, $0x0;
	s5 =	sld [smem:$0x3FB3]  }
0x2b: {  	s6 =	sld [smem:$0x3FB4]  }
0x2c: {  	s7 =	sld [smem:$0x3FB5]  }
0x2d: {  	s3 =	simm.s32 $0x108;
	s8 =	sld [smem:$0x3FB6]  }
0x2e: {  	s3 =	simm.s32 @!p0 $0x1082;
	s9 =	sld [smem:$0x3FB7]  }
0x2f: {  	lr =	sadd.s32 s0, s3;
	s0 =	sld [smem:$0x3FAE]  }
0x30: {  	s3 =	sld [smem:$0x3FB1]  }
0x31: {  	[smem:$0x3FBA] =	sst s10  }
0x32: {  	s10 =	sld [smem:$0x3FB8];
	_ =	sdelay $0x3  }
0x33: {  	p0 =	seq.s32 s10, $0x1;
	s10 =	sld [smem:$0x3FBA];
	_ =	sdelay $0x3  }
0x34: {  	[smem:$0x3FBA] =	sst s10  }
0x35: {  	s10 =	sld [smem:$0x3FB9];
	_ =	sdelay $0x3  }
0x36: {  	p1 =	seq.s32 s10, $0x1;
	s10 =	sld [smem:$0x3FBA];
	_ =	sdelay $0x3  }
0x37: {  	[smem:$0x3FBA] =	sst s10  }
0x38: {  	s10 =	sld [smem:$0x3FBB]  }
0x39: {  	_ = 	snop;
	(pc) =	sbr.ind lr, $3  }
0x3a: {  	_ = 	snop  }
0x3b: {  	_ = 	snop  }
0x3c: {  	p2 =	seq.s32 s10, $0x1;
	s10 =	sld [smem:$0x3FBA]  }
0x3d: {  	_ =	shalt  }
0x3e: {  	_ =	shalt  }
0x3f: {  	_ =	shalt  }
0x40: {  	_ =	shalt  }
0x41: {  	_ =	shalt  }
0x42: {  	_ =	shalt  }
0x43: {  	_ =	shalt  }
0x44: {  	_ =	shalt  }
0x45: {  	_ =	shalt  }
0x46: {  	_ =	shalt  }
0x47: {  	_ =	shalt  }
0x48: {  	_ =	shalt  }
0x49: {  	_ =	shalt  }
0x4a: {  	_ =	shalt  }
0x4b: {  	_ =	shalt  }
0x4c: {  	_ =	shalt  }
0x4d: {  	_ =	shalt  }
0x4e: {  	_ =	shalt  }
0x4f: {  	_ =	shalt  }
0x50: {  	_ =	shalt  }
0x51: {  	_ =	shalt  }
0x52: {  	_ =	shalt  }
0x53: {  	_ =	shalt  }
0x54: {  	_ =	shalt  }
0x55: {  	_ =	shalt  }
0x56: {  	_ =	shalt  }
0x57: {  	_ =	shalt  }
0x58: {  	_ =	shalt  }
0x59: {  	_ =	shalt  }
0x5a: {  	_ =	shalt  }
0x5b: {  	_ =	shalt  }
0x5c: {  	_ =	shalt  }
0x5d: {  	_ =	shalt  }
0x5e: {  	_ =	shalt  }
0x5f: {  	_ =	shalt  }
0x60: {  	_ =	shalt  }
0x61: {  	_ =	shalt  }
0x62: {  	_ =	shalt  }
0x63: {  	_ =	shalt  }
0x64: {  	_ =	shalt  }
0x65: {  	_ =	shalt  }
0x66: {  	_ =	shalt  }
0x67: {  	_ =	shalt  }
0x68: {  	_ =	shalt  }
0x69: {  	_ =	shalt  }
0x6a: {  	_ =	shalt  }
0x6b: {  	_ =	shalt  }
0x6c: {  	_ =	shalt  }
0x6d: {  	_ =	shalt  }
0x6e: {  	_ =	shalt  }
0x6f: {  	_ =	shalt  }
0x70: {  	_ =	shalt  }
0x71: {  	_ =	shalt  }
0x72: {  	_ =	shalt  }
0x73: {  	_ =	shalt  }
0x74: {  	_ =	shalt  }
0x75: {  	_ =	shalt  }
0x76: {  	_ =	shalt  }
0x77: {  	_ =	shalt  }
0x78: {  	_ =	shalt  }
0x79: {  	_ =	shalt  }
0x7a: {  	_ =	shalt  }
0x7b: {  	_ =	shalt  }
0x7c: {  	_ =	shalt  }
0x7d: {  	_ =	shalt  }
0x7e: {  	_ =	shalt  }
0x7f: {  	_ =	shalt  }
0x80: {  	_ =	shalt  }
0x81: {  	_ =	shalt  }
0x82: {  	_ =	shalt  }
0x83: {  	_ =	shalt  }
0x84: {  	_ =	shalt  }
0x85: {  	_ =	shalt  }
0x86: {  	_ =	shalt  }
0x87: {  	_ =	shalt  }
.Lfunc_end0:
.L_simem_size_0:
called_computation_lowered:
.L_overlay_start_0:
0x88: {  	s2 =	sld [smem:$0x3FD9]  }
0x89: {  	s3 =	sld [smem:$0x3FFE];
	_ =	sdelay $0x1  }
0x8a: {  	s1 =	srdreg.scid  }
0x8b: {  	s0 =	sand.u32 $0x1, s1  }
0x8c: {  	s18 =	sshll.u32 s0, $0xA;
	s2 =	sadd.s32 s3, s2  }
0x8d: {  	s2 =	sadd.s32 s2, s18  }
0x8e: {  	[smem:$0x3FC6] =	sst s2  }
0x8f: {  	_ = 	snop  }
0x90: {  	s2 =	sld [smem:$0x3FC9]  }
0x91: {  	s19 =	sld [smem:$0x3FC8]  }
0x92: {  	s4 =	sld [smem:$0x3FD0];
	(tm) =	ssettm $0x1  }
0x93: {  	s5 =	sld [smem:$0x3FFB];
	_ =	sdelay $0x3  }
0x94: {  	_ =	strace s5  }
0x95: {  	s5 =	sld [smem:$0x3FFC];
	_ =	sdelay $0x3  }
0x96: {  	_ =	strace s5  }
0x97: {  	s5 =	sld [smem:$0x3FFD];
	_ =	sdelay $0x3  }
0x98: {  	_ =	strace s5  }
0x99: {  	_ =	strace $0x8FFFFFFF  }
0x9a: {  	s20 =	sld [smem:$0x3FDB];
	_ =	sdelay $0x1  }
0x9b: {  	s6 =	simm.s32 $_scs_section_size  }
0x9c: {  	s7 =	simm.s32 $_size__tile_overlayer_lowered;
	s8 =	simm.s32 $_tile_overlayer_lowered  }
0x9d: {  	s23 =	simm.s32 $0x1BFF;
	s22 =	sshll.u32 s8, $0x1;
	s5 =	sadd.s32 s6, s20  }
0x9e: {  	s9 =	simm.s32 $0x0;
	s21 =	sshll.u32 s7, $0x1;
	s7 =	sadd.s32 s22, s5  }
0x9f: {  	[timem:s9], [sflag:s23] =	dma.local [hbm:s7], s21  }
0xa0: {  	_ =	swait.ge [sflag:s23], s21  }
0xa1: {  	s6 =	ssub.s32 $0x0, s21;
	[sflag:s23] =	ssyncset.done $0x0  }
0xa2: {  	[sflag:s23] =	ssyncadd.s32 s6;
	_ =	sdelay $0x1  }
0xa3: {  	s24 =	simm.s32 $0x1B8B  }
0xa4: {  	_ =	swait.ge [sflag:s24], $0x1  }
0xa5: {  	[sflag:s24] =	ssyncset.done $0x0  }
0xa6: {  	s25 =	simm.s32 $0x1B8E;
	[sflag:s24] =	ssyncadd.s32 $0xFFFFFFFF  }
0xa7: {  	s26 =	simm.s32 $execute0_lowered;
	[smem:$0x3FD2] =	sst s25  }
0xa8: {  	s6 =	sshll.u32 s26, $0x1;
	_ =	strace $0x80000046;
	[dreg:$0x1] =	wrdreg $0xFFFFFFFF  }
0xa9: {  	s28 =	simm.s32 $_size_execute0_lowered;
	s5 =	sadd.s32 s5, s6;
	[dreg:$0x0] =	wrdreg $0x0  }
0xaa: {  	s6 =	sshll.u32 s28, $0x1;
	[dreg:$0x2] =	wrdreg s5  }
0xab: {  	[dreg:$0x3] =	wrdreg s6  }
0xac: {  	[dreg:$0x4] =	wrdreg $0xC0  }
0xad: {  	_ =	task [dreg:s9], $0x5FFFF  }
0xae: {  	[dreg:$0x1] =	wrdreg $0xFFFFFFFF  }
0xaf: {  	[dreg:$0x0] =	wrdreg $0x60  }
0xb0: {  	[dreg:$0x2] =	wrdreg s2  }
0xb1: {  	[dreg:$0x3] =	wrdreg s19  }
0xb2: {  	[dreg:$0x4] =	wrdreg s4  }
0xb3: {  	[dreg:$0x5] =	wrdreg $0x9  }
0xb4: {  	_ =	task.clear_ibuf [dreg:s9], $0x6FFFF;
	_ =	strace $0x90000046  }
0xb5: {  	s29 =	simm.s32 $0x9;
	_ =	strace $0x80000048  }
0xb6: {  	_ =	swait.ge [sflag:s29], $0x1  }
0xb7: {  	[sflag:s29] =	ssyncadd.s32 $0xFFFFFFFF  }
0xb8: {  	_ =	strace $0x90000048  }
0xb9: {  	_ =	sfence  }
0xba: {  	s30 =	sld [smem:$0x0];
	_ =	sdelay $0x2  }
0xbb: {  	s31 =	sshll.u32 s1, $0xD;
	s1 =	sshrl.u32 s1, $0x2  }
0xbc: {  	s3 =	sand.u32 $0x4000, s31;
	s1 =	sadd.s32 s1, s30  }
0xbd: {  	s0 =	sor.u32 s3, s0;
	s1 =	sshll.u32 s1, $0x11  }
0xbe: {  	s0 =	sor.u32 s1, s0  }
0xbf: {  	s0 =	sadd.s32 $0x8F2B, s0  }
0xc0: {  	[sflag:s0] =	ssyncadd.remote.s32 $0x1  }
0xc1: {  	_ =	sfence.sel $0xFFFF  }
0xc2: {  	[dreg:$0x0] =	wrdreg $0xFFFFFFFF;
	(pc) =	sbr.abs _section_cstart, $3  }
0xc3: {  	[dreg:$0x1] =	wrdreg $0xFFFFFFFF  }
0xc4: {  	_ =	task.clear_ibuf [dreg:s9], $0x2FFFF;
	_ =	strace $0x9FFFFFFF  }
0xc5: {  	(tm) =	ssettm $0x7FFFFFFF  }
tec
execute0_lowered:
.L_overlay_start_1:
0x0: {  	(tag) =	ssettag $0x1  }
0x1: {  	s1 =	rddreg [dreg:$0x0]  }
0x2: {  	s3 =	rddreg [dreg:$0x1]  }
0x3: {  	s4 =	rddreg [dreg:$0x2];
	s5 =	srdreg.scid  }
0x4: {  	s0 =	rddreg [dreg:$0x3];
	s2 =	stileid.u32;
	s12 =	simm.s32 $0x80  }
0x5: {  	s13 =	simm.s32 $0x400;
	s14 =	simm.s32 $0x3;
	s15 =	simm.s32 $0x1  }
0x6: {  	s16 =	simm.s32 $0x2;
	s17 =	simm.s32 $0x0;
	s6 =	sand.u32 $0x1, s5  }
0x7: {  	s5 =	simm.s32 $0x0;
	s8 =	sshll.u32 s2, $0x1;
	p0 =	slt.u32 s2, $0xA  }
0x8: {  	s10 =	sadd.s32 $0x3000, s4;
	s7 =	ssub.s32 $0x2, s6;
	[smem:$0x7FF] =	sst s5  }
0x9: {  	s6 =	sor.u32 s6, s8;
	s9 =	sshrl.u32 s7, $0x1;
	_ =	strace $0x80000047  }
0xa: {  	s31 =	smul.u32 $0x28, s6;
	s8 =	smin.u32 s6, $0x14;
	s6 =	simm.s32 $0x29  }
0xb: {  	s11 =	ssub.s32 s7, s9;
	s6 =	simm.s32 @!p0 $0x28;
	s9 =	sadd.s32 $0x2000, s4  }
0xc: {  	s7 =	sadd.s32 s8, s31;
	s8 =	sadd.s32 $0x1000, s4;
	s11 =	smax.u32 s11, $0x1  }
.LBB2_1:
0xd: {  	s18 =	simm.s32 $0xFFFFFFFF;
	s19 =	simm.s32 $0x0  }
.LBB2_2:
0xe: {  	s20 =	sadd.s32 s19, s7  }
0xf: {  	s21 =	smulhi.u32 $0x51EB851F, s20;
	_ =	sdelay $0x1  }
0x10: {  	s22 =	smov.u32 s18;
	s18 =	sshrl.u32 s21, $0x4  }
0x11: {  	s21 =	smul.u32 $0x32, s18;
	_ =	sdelay $0x1  }
0x12: {  	s20 =	ssub.s32 s20, s21  }
0x13: {  	s23 =	smul.u32 $0x558800, s18;
	s21 =	sshrl.u32 s20, $0x3  }
0x14: {  	s24 =	smul.u32 $0xC3800, s21  }
0x15: {  	s20 =	sshll.u32 s20, $0x7  }
0x16: {  	s20 =	sand.u32 $0x380, s20;
	s23 =	sadd.s32 s23, s24  }
0x17: {  	s23 =	sor.u32 s20, s23  }
0x18: {  	s23 =	sshrl.u32 s23, $0x3  }
0x19: {  	p0 =	seq.s32 s18, s22;
	s23 =	sadd.s32 s3, s23  }
0x1a: {  	[tilespmem:s5], [sflag:$0x3] =	stream.strided.gather [hbm4b:s23+s12], $0x18700, s13, s12, $0x38;
	[tilespmem:$0x1E700] =	vst v63  }
0x1b: {  	s22 =	sshll.u32 @!p0 s18, $0xE;
	s23 =	sshll.u32 @!p0 s18, $0x7  }
0x1c: {  	s22 =	sand.u32 @!p0 $0xFFFE0000, s22;
	s23 =	sand.u32 @!p0 $0x380, s23  }
0x1d: {  	s22 =	sor.u32 @!p0 s23, s22  }
0x1e: {  	s25 =	simm.s32 @!p0 $0x18700;
	s22 =	sshrl.u32 @!p0 s22, $0x3  }
0x1f: {  	s24 =	simm.s32 @!p0 $0x400;
	s23 =	simm.s32 @!p0 $0x80;
	s22 =	sadd.s32 @!p0 s1, s22  }
0x20: {  	[tilespmem:s25], [sflag:$0x5] =	stream.strided.gather @!p0 [hbm4b:s22+s23], $0x4000, s24, s23, $0x38;
	[tilespmem:$0x1E700] =	vst v63  }
0x21: {  	s22 =	simm.s32 @!p0 $0x5  }
0x22: {  	_ =	swait.ge @!p0 [sflag:s22], $0x4000  }
0x23: {  	[sflag:s22] =	ssyncset.done @!p0 $0x0  }
0x24: {  	[sflag:s22] =	ssyncadd.s32 @!p0 $0xFFFFC000  }
0x25: {  	_ =	swait.ge [sflag:s14], $0x18700  }
0x26: {  	p0 =	seq.s32 s19, $0x0;
	[sflag:s14] =	ssyncset.done $0x0  }
0x27: {  	s22 =	simm.s32 @!p0 $0x1;
	[sflag:s14] =	ssyncadd.s32 $0xFFFE7900  }
0x28: {  	_ =	swait.ge @!p0 [sflag:s22], $0x1000  }
0x29: {  	[sflag:s22] =	ssyncset.done @!p0 $0x0  }
0x2a: {  	s31 =	simm.s32 $0x18780;
	[sflag:s22] =	ssyncadd.s32 @!p0 $0xFFFFF000  }
0x2b: {  	v0 =	vld [tilespmem:s31+$0x40];
	_ =	sdelay $0x1  }
0x2c: {  	v1 =	vld [tilespmem:s31+$0xFFFFFFC0]  }
0x2d: {  	v2 =	vld [tilespmem:s31+$0xFFFFFF80]  }
0x2e: {  	v3 =	vld [tilespmem:s31+$0x0];
	_ =	sdelay $0x3  }
0x2f: {  	v0 =	vld.idx.msk [tilespmem:v0+s5+$0x0], $0xffff;
	_ =	sdelay $0x1  }
0x30: {  	v1 =	vld.idx.msk [tilespmem:v1+s5+$0x0], $0xffff  }
0x31: {  	v2 =	vld.idx.msk [tilespmem:v2+s5+$0x0], $0xffff  }
0x32: {  	v3 =	vld.idx.msk [tilespmem:v3+s5+$0x0], $0xffff  }
0x33: {  	s22 =	simm.s32 $0x1C800;
	v0 =	vmax.f32 v0, $0.0e+00  }
0x34: {  	[tilespmem:s22+$0x40] =	vst v0  }
0x35: {  	v1 =	vmax.f32 v1, $0.0e+00;
	v0 =	vld [tilespmem:s31+$0x50]  }
0x36: {  	[tilespmem:s22+$0xFFFFFF40] =	vst v1;
	v1 =	vmax.f32 v2, $0.0e+00  }
0x37: {  	v2 =	vmax.f32 v3, $0.0e+00;
	v3 =	vld [tilespmem:s31+$0xFFFFFFD0];
	[tilespmem:s22+$0xFFFFFF00] =	vst v1  }
0x38: {  	[tilespmem:s22+$0x0] =	vst v2;
	v1 =	vld [tilespmem:s31+$0xFFFFFF90]  }
0x39: {  	v2 =	vld [tilespmem:s31+$0x10];
	_ =	sdelay $0x3  }
0x3a: {  	v0 =	vld.idx.msk [tilespmem:v0+s5+$0x0], $0xffff;
	_ =	sdelay $0x1  }
0x3b: {  	v3 =	vld.idx.msk [tilespmem:v3+s5+$0x0], $0xffff  }
0x3c: {  	v1 =	vld.idx.msk [tilespmem:v1+s5+$0x0], $0xffff  }
0x3d: {  	s24 =	simm.s32 $0x18880;
	v2 =	vld.idx.msk [tilespmem:v2+s5+$0x0], $0xffff  }
0x3e: {  	v5 =	vld [tilespmem:s24+$0xFFFFFFC0];
	v0 =	vmax.f32 v0, $0.0e+00  }
0x3f: {  	[tilespmem:s22+$0x50] =	vst v0;
	v0 =	vld [tilespmem:s24+$0x40]  }
0x40: {  	v6 =	vld [tilespmem:s24+$0x0];
	v3 =	vmax.f32 v3, $0.0e+00  }
0x41: {  	v1 =	vmax.f32 v1, $0.0e+00;
	[tilespmem:s22+$0xFFFFFF50] =	vst v3;
	v4 =	vld [tilespmem:s31+$0x60]  }
0x42: {  	v2 =	vmax.f32 v2, $0.0e+00;
	[tilespmem:s22+$0xFFFFFF10] =	vst v1;
	v1 =	vld [tilespmem:s24+$0xFFFFFF80]  }
0x43: {  	[tilespmem:s22+$0x10] =	vst v2;
	v2 =	vld [tilespmem:s31+$0xFFFFFFE0]  }
0x44: {  	v3 =	vld [tilespmem:s31+$0xFFFFFFA0]  }
0x45: {  	v7 =	vld [tilespmem:s31+$0x20]  }
0x46: {  	v5 =	vld.idx.msk [tilespmem:v5+s5+$0x0], $0xffff  }
0x47: {  	v0 =	vld.idx.msk [tilespmem:v0+s5+$0x0], $0xffff  }
0x48: {  	v6 =	vld.idx.msk [tilespmem:v6+s5+$0x0], $0xffff  }
0x49: {  	v4 =	vld.idx.msk [tilespmem:v4+s5+$0x0], $0xffff  }
0x4a: {  	v1 =	vld.idx.msk [tilespmem:v1+s5+$0x0], $0xffff  }
0x4b: {  	v2 =	vld.idx.msk [tilespmem:v2+s5+$0x0], $0xffff  }
0x4c: {  	s23 =	simm.s32 $0x1CA00;
	v3 =	vld.idx.msk [tilespmem:v3+s5+$0x0], $0xffff;
	v0 =	vmax.f32 v0, $0.0e+00  }
0x4d: {  	v5 =	vmax.f32 v5, $0.0e+00;
	[tilespmem:s23+$0x40] =	vst v0;
	v0 =	vld.idx.msk [tilespmem:v7+s5+$0x0], $0xffff  }
0x4e: {  	[tilespmem:s23+$0xFFFFFF40] =	vst v5;
	v4 =	vmax.f32 v4, $0.0e+00;
	v7 =	vld [tilespmem:s24+$0x50]  }
0x4f: {  	v1 =	vmax.f32 v1, $0.0e+00;
	[tilespmem:s22+$0x60] =	vst v4;
	v4 =	vmax.f32 v6, $0.0e+00;
	v6 =	vld [tilespmem:s24+$0xFFFFFFD0]  }
0x50: {  	[tilespmem:s23+$0xFFFFFF00] =	vst v1;
	v5 =	vld [tilespmem:s31+$0x70]  }
0x51: {  	v3 =	vmax.f32 v3, $0.0e+00;
	[tilespmem:s23+$0x0] =	vst v4;
	v4 =	vld [tilespmem:s24+$0xFFFFFF90]  }
0x52: {  	v2 =	vmax.f32 v2, $0.0e+00;
	[tilespmem:s22+$0xFFFFFF20] =	vst v3;
	v1 =	vld [tilespmem:s24+$0x10]  }
0x53: {  	[tilespmem:s22+$0xFFFFFF60] =	vst v2;
	v8 =	vld [tilespmem:s31+$0xFFFFFFB0];
	v0 =	vmax.f32 v0, $0.0e+00  }
0x54: {  	v9 =	vld [tilespmem:s31+$0xFFFFFFF0];
	[tilespmem:s22+$0x20] =	vst v0  }
0x55: {  	v10 =	vld [tilespmem:s31+$0x30]  }
0x56: {  	v0 =	vld.idx.msk [tilespmem:v7+s5+$0x0], $0xffff  }
0x57: {  	v6 =	vld.idx.msk [tilespmem:v6+s5+$0x0], $0xffff  }
0x58: {  	v7 =	vld.idx.msk [tilespmem:v5+s5+$0x0], $0xffff  }
0x59: {  	v5 =	vld.idx.msk [tilespmem:v4+s5+$0x0], $0xffff  }
0x5a: {  	v3 =	vld.idx.msk [tilespmem:v1+s5+$0x0], $0xffff  }
0x5b: {  	v2 =	vld.idx.msk [tilespmem:v8+s5+$0x0], $0xffff  }
0x5c: {  	v1 =	vmax.f32 v0, $0.0e+00;
	v0 =	vld.idx.msk [tilespmem:v9+s5+$0x0], $0xffff  }
0x5d: {  	s26 =	simm.s32 $0x18980;
	s25 =	simm.s32 $0x100;
	[tilespmem:s23+$0x50] =	vst v1;
	v1 =	vld.idx.msk [tilespmem:v10+s5+$0x0], $0xffff;
	v4 =	vmax.f32 v7, $0.0e+00  }
.LBB2_3:
0x5e: {  	v7 =	vld [tilespmem:s26+$0x40];
	v6 =	vmax.f32 v6, $0.0e+00;
	[tilespmem:s22+$0x70] =	vst v4  }
0x5f: {  	s25 =	sadd.s32 $0x100, s25;
	v3 =	vmax.f32 v3, $0.0e+00;
	[tilespmem:s23+$0xFFFFFF50] =	vst v6;
	v4 =	vld [tilespmem:s24+$0x60]  }
0x60: {  	p1 =	slt.u32 s25, $0xF00;
	v5 =	vmax.f32 v5, $0.0e+00;
	v6 =	vld [tilespmem:s26+$0xFFFFFFC0];
	[tilespmem:s23+$0x10] =	vst v3  }
0x61: {  	v2 =	vmax.f32 v2, $0.0e+00;
	v3 =	vld [tilespmem:s26+$0x0];
	[tilespmem:s23+$0xFFFFFF10] =	vst v5  }
0x62: {  	v0 =	vmax.f32 v0, $0.0e+00;
	v5 =	vld [tilespmem:s26+$0xFFFFFF80];
	[tilespmem:s22+$0xFFFFFF30] =	vst v2  }
0x63: {  	v2 =	vld [tilespmem:s24+$0xFFFFFFA0];
	[tilespmem:s22+$0xFFFFFF70] =	vst v0;
	v0 =	vmax.f32 v1, $0.0e+00  }
0x64: {  	v1 =	vld [tilespmem:s24+$0xFFFFFFE0];
	[tilespmem:s22+$0x30] =	vst v0;
	s22 =	smov.u32 s23  }
0x65: {  	v0 =	vld [tilespmem:s24+$0x20]  }
0x66: {  	v7 =	vld.idx.msk [tilespmem:v7+s5+$0x0], $0xffff  }
0x67: {  	v4 =	vld.idx.msk [tilespmem:v4+s5+$0x0], $0xffff  }
0x68: {  	v6 =	vld.idx.msk [tilespmem:v6+s5+$0x0], $0xffff  }
0x69: {  	v3 =	vld.idx.msk [tilespmem:v3+s5+$0x0], $0xffff  }
0x6a: {  	v5 =	vld.idx.msk [tilespmem:v5+s5+$0x0], $0xffff  }
0x6b: {  	v2 =	vld.idx.msk [tilespmem:v2+s5+$0x0], $0xffff  }
0x6c: {  	s23 =	sadd.s32 $0x200, s23;
	v7 =	vmax.f32 v7, $0.0e+00;
	v1 =	vld.idx.msk [tilespmem:v1+s5+$0x0], $0xffff  }
0x6d: {  	v4 =	vmax.f32 v4, $0.0e+00;
	[tilespmem:s23+$0x40] =	vst v7;
	v0 =	vld.idx.msk [tilespmem:v0+s5+$0x0], $0xffff  }
0x6e: {  	v6 =	vmax.f32 v6, $0.0e+00;
	v7 =	vld [tilespmem:s26+$0x50];
	[tilespmem:s22+$0x60] =	vst v4  }
0x6f: {  	v3 =	vmax.f32 v3, $0.0e+00;
	[tilespmem:s23+$0xFFFFFF40] =	vst v6;
	v4 =	vld [tilespmem:s24+$0x70]  }
0x70: {  	v5 =	vmax.f32 v5, $0.0e+00;
	v6 =	vld [tilespmem:s26+$0xFFFFFFD0];
	[tilespmem:s23+$0x0] =	vst v3  }
0x71: {  	v2 =	vmax.f32 v2, $0.0e+00;
	[tilespmem:s23+$0xFFFFFF00] =	vst v5;
	v3 =	vld [tilespmem:s26+$0x10]  }
0x72: {  	v1 =	vmax.f32 v1, $0.0e+00;
	v5 =	vld [tilespmem:s26+$0xFFFFFF90];
	[tilespmem:s22+$0xFFFFFF20] =	vst v2  }
0x73: {  	v0 =	vmax.f32 v0, $0.0e+00;
	v2 =	vld [tilespmem:s24+$0xFFFFFFB0];
	[tilespmem:s22+$0xFFFFFF60] =	vst v1  }
0x74: {  	v1 =	vld [tilespmem:s24+$0xFFFFFFF0];
	[tilespmem:s22+$0x20] =	vst v0  }
0x75: {  	v8 =	vld [tilespmem:s24+$0x30];
	s24 =	smov.u32 s26  }
0x76: {  	v0 =	vld.idx.msk [tilespmem:v7+s5+$0x0], $0xffff  }
0x77: {  	v4 =	vld.idx.msk [tilespmem:v4+s5+$0x0], $0xffff  }
0x78: {  	v6 =	vld.idx.msk [tilespmem:v6+s5+$0x0], $0xffff  }
.Ltmp0:
0x79: {  	v3 =	vld.idx.msk [tilespmem:v3+s5+$0x0], $0xffff;
	(pc) =	sbr.rel @p1 .LBB2_3-.Ltmp0, $4  }
0x7a: {  	v5 =	vld.idx.msk [tilespmem:v5+s5+$0x0], $0xffff  }
0x7b: {  	v2 =	vld.idx.msk [tilespmem:v2+s5+$0x0], $0xffff  }
0x7c: {  	v7 =	vmax.f32 v0, $0.0e+00;
	v0 =	vld.idx.msk [tilespmem:v1+s5+$0x0], $0xffff  }
0x7d: {  	s26 =	sadd.s32 $0x100, s26;
	v4 =	vmax.f32 v4, $0.0e+00;
	[tilespmem:s23+$0x50] =	vst v7;
	v1 =	vld.idx.msk [tilespmem:v8+s5+$0x0], $0xffff  }
0x7e: {  	v6 =	vmax.f32 v6, $0.0e+00  }
0x7f: {  	v7 =	vld [tilespmem:s24+$0x60];
	v3 =	vmax.f32 v3, $0.0e+00;
	[tilespmem:s23+$0xFFFFFF50] =	vst v6  }
0x80: {  	v5 =	vmax.f32 v5, $0.0e+00;
	[tilespmem:s23+$0x10] =	vst v3;
	v53 =	vld [tilespmem:s24+$0xFFFFFFE0]  }
0x81: {  	[tilespmem:s23+$0xFFFFFF10] =	vst v5;
	v54 =	vld [tilespmem:s24+$0x20]  }
0x82: {  	v5 =	vld [tilespmem:s24+$0xFFFFFFA0];
	_ =	sdelay $0x4  }
0x83: {  	v7 =	vld.idx.msk [tilespmem:v7+s5+$0x0], $0xffff  }
0x84: {  	v3 =	vld.idx.msk [tilespmem:v53+s5+$0x0], $0xffff  }
0x85: {  	v6 =	vld.idx.msk [tilespmem:v54+s5+$0x0], $0xffff  }
0x86: {  	v5 =	vld.idx.msk [tilespmem:v5+s5+$0x0], $0xffff;
	_ =	sdelay $0x1  }
0x87: {  	v7 =	vmax.f32 v7, $0.0e+00  }
0x88: {  	[tilespmem:s23+$0x60] =	vst v7;
	v3 =	vmax.f32 v3, $0.0e+00  }
0x89: {  	v7 =	vld [tilespmem:s24+$0x70];
	v55 =	vmax.f32 v6, $0.0e+00;
	[tilespmem:s23+$0xFFFFFF60] =	vst v3  }
0x8a: {  	v5 =	vmax.f32 v5, $0.0e+00;
	[tilespmem:s23+$0x20] =	vst v55;
	v56 =	vld [tilespmem:s24+$0xFFFFFFF0]  }
0x8b: {  	[tilespmem:s23+$0xFFFFFF20] =	vst v5;
	v3 =	vld [tilespmem:s24+$0x30]  }
0x8c: {  	v5 =	vld [tilespmem:s24+$0xFFFFFFB0];
	_ =	sdelay $0x4  }
0x8d: {  	v7 =	vld.idx.msk [tilespmem:v7+s5+$0x0], $0xffff  }
0x8e: {  	v57 =	vld.idx.msk [tilespmem:v56+s5+$0x0], $0xffff  }
0x8f: {  	[tilespmem:s22+$0x70] =	vst v4;
	v2 =	vmax.f32 v2, $0.0e+00;
	v58 =	vld.idx.msk [tilespmem:v3+s5+$0x0], $0xffff  }
0x90: {  	s31 =	smul.u32 $0xE0000, s18;
	[tilespmem:s22+$0xFFFFFF30] =	vst v2;
	v0 =	vmax.f32 v0, $0.0e+00;
	v5 =	vld.idx.msk [tilespmem:v5+s5+$0x0], $0xffff  }
0x91: {  	s21 =	sshll.u32 s21, $0x11;
	[tilespmem:s22+$0xFFFFFF70] =	vst v0;
	v59 =	vmax.f32 v1, $0.0e+00  }
0x92: {  	s21 =	sadd.s32 s31, s21;
	[tilespmem:s22+$0x30] =	vst v59;
	v60 =	vmax.f32 v7, $0.0e+00  }
0x93: {  	s20 =	sor.u32 s20, s21;
	[tilespmem:s23+$0x70] =	vst v60;
	v62 =	vmax.f32 v57, $0.0e+00  }
0x94: {  	s20 =	sshrl.u32 s20, $0x3;
	v63 =	vmax.f32 v58, $0.0e+00;
	[tilespmem:s23+$0xFFFFFF70] =	vst v62  }
0x95: {  	s21 =	sadd.s32 s4, s20;
	s22 =	simm.s32 $0x1C700;
	v61 =	vmax.f32 v5, $0.0e+00;
	[tilespmem:s23+$0x30] =	vst v63  }
0x96: {  	s25 =	sadd.s32 $0x0, s21;
	s24 =	simm.s32 $0x1C800;
	[tilespmem:s23+$0xFFFFFF30] =	vst v61;
	s23 =	simm.s32 $0x80  }
.LBB2_5:
0x97: {  	[hbm4b:s25+s5] =	stream.linear.scatter [tilespmem:s22], [sflag:$0x1], $0x80, $0x38;
	[tilespmem:$0x1E700] =	vst v63  }
0x98: {  	s25 =	smov.u32 s23;
	s22 =	smov.u32 s24;
	p1 =	sne.s32 s23, $0xF80  }
.Ltmp1:
0x99: {  	s23 =	sadd.s32 $0x80, s23;
	(pc) =	sbr.rel @p1 .LBB2_5-.Ltmp1, $2  }
0x9a: {  	_ =	sdelay $0x2  }
0x9b: {  	s24 =	sadd.s32 $0x100, s24;
	s25 =	sadd.s32 s25, s21  }
0x9c: {  	[hbm4b:s25+s5] =	stream.linear.scatter [tilespmem:s22], [sflag:$0x1], $0x80, $0x38;
	[tilespmem:$0x1E700] =	vst v63  }
0x9d: {  	s21 =	simm.s32 @!p0 $0x2  }
0x9e: {  	_ =	swait.ge @!p0 [sflag:s21], $0x1000  }
0x9f: {  	[sflag:s21] =	ssyncset.done @!p0 $0x0  }
0xa0: {  	s24 =	simm.s32 $0x197F0;
	[sflag:s21] =	ssyncadd.s32 @!p0 $0xFFFFF000  }
0xa1: {  	v0 =	vld [tilespmem:s24+$0xFFFFFFD0];
	_ =	sdelay $0x1  }
0xa2: {  	v1 =	vld [tilespmem:s24+$0xFFFFFF50]  }
0xa3: {  	v2 =	vld [tilespmem:s24+$0xFFFFFF10]  }
0xa4: {  	v3 =	vld [tilespmem:s24+$0xFFFFFF90];
	_ =	sdelay $0x3  }
0xa5: {  	v0 =	vld.idx.msk [tilespmem:v0+s5+$0x0], $0xffff;
	_ =	sdelay $0x1  }
0xa6: {  	v1 =	vld.idx.msk [tilespmem:v1+s5+$0x0], $0xffff  }
0xa7: {  	v2 =	vld.idx.msk [tilespmem:v2+s5+$0x0], $0xffff  }
0xa8: {  	v3 =	vld.idx.msk [tilespmem:v3+s5+$0x0], $0xffff  }
0xa9: {  	s21 =	simm.s32 $0x1C880;
	v0 =	vmax.f32 v0, $0.0e+00  }
0xaa: {  	[tilespmem:s21+$0x40] =	vst v0  }
0xab: {  	v1 =	vmax.f32 v1, $0.0e+00;
	v0 =	vld [tilespmem:s24+$0xFFFFFFE0]  }
0xac: {  	[tilespmem:s21+$0xFFFFFF40] =	vst v1;
	v1 =	vmax.f32 v2, $0.0e+00  }
0xad: {  	v2 =	vmax.f32 v3, $0.0e+00;
	v3 =	vld [tilespmem:s24+$0xFFFFFF60];
	[tilespmem:s21+$0xFFFFFF00] =	vst v1  }
0xae: {  	[tilespmem:s21+$0x0] =	vst v2;
	v1 =	vld [tilespmem:s24+$0xFFFFFF20]  }
0xaf: {  	v2 =	vld [tilespmem:s24+$0xFFFFFFA0];
	_ =	sdelay $0x3  }
0xb0: {  	v0 =	vld.idx.msk [tilespmem:v0+s5+$0x0], $0xffff;
	_ =	sdelay $0x1  }
0xb1: {  	v3 =	vld.idx.msk [tilespmem:v3+s5+$0x0], $0xffff  }
0xb2: {  	v1 =	vld.idx.msk [tilespmem:v1+s5+$0x0], $0xffff  }
0xb3: {  	s22 =	simm.s32 $0x198F0;
	v2 =	vld.idx.msk [tilespmem:v2+s5+$0x0], $0xffff  }
0xb4: {  	v5 =	vld [tilespmem:s22+$0xFFFFFF50];
	v0 =	vmax.f32 v0, $0.0e+00  }
0xb5: {  	[tilespmem:s21+$0x50] =	vst v0;
	v0 =	vld [tilespmem:s22+$0xFFFFFFD0]  }
0xb6: {  	v6 =	vld [tilespmem:s22+$0xFFFFFF90];
	v3 =	vmax.f32 v3, $0.0e+00  }
0xb7: {  	v1 =	vmax.f32 v1, $0.0e+00;
	[tilespmem:s21+$0xFFFFFF50] =	vst v3;
	v4 =	vld [tilespmem:s24+$0xFFFFFFF0]  }
0xb8: {  	v2 =	vmax.f32 v2, $0.0e+00;
	[tilespmem:s21+$0xFFFFFF10] =	vst v1;
	v1 =	vld [tilespmem:s22+$0xFFFFFF10]  }
0xb9: {  	[tilespmem:s21+$0x10] =	vst v2;
	v2 =	vld [tilespmem:s24+$0xFFFFFF70]  }
0xba: {  	v3 =	vld [tilespmem:s24+$0xFFFFFF30]  }
0xbb: {  	v7 =	vld [tilespmem:s24+$0xFFFFFFB0]  }
0xbc: {  	v5 =	vld.idx.msk [tilespmem:v5+s5+$0x0], $0xffff  }
0xbd: {  	v0 =	vld.idx.msk [tilespmem:v0+s5+$0x0], $0xffff  }
0xbe: {  	v6 =	vld.idx.msk [tilespmem:v6+s5+$0x0], $0xffff  }
0xbf: {  	v4 =	vld.idx.msk [tilespmem:v4+s5+$0x0], $0xffff  }
0xc0: {  	v1 =	vld.idx.msk [tilespmem:v1+s5+$0x0], $0xffff  }
0xc1: {  	v2 =	vld.idx.msk [tilespmem:v2+s5+$0x0], $0xffff  }
0xc2: {  	s23 =	simm.s32 $0x1CA80;
	v3 =	vld.idx.msk [tilespmem:v3+s5+$0x0], $0xffff;
	v0 =	vmax.f32 v0, $0.0e+00  }
0xc3: {  	v5 =	vmax.f32 v5, $0.0e+00;
	[tilespmem:s23+$0x40] =	vst v0;
	v0 =	vld.idx.msk [tilespmem:v7+s5+$0x0], $0xffff  }
0xc4: {  	[tilespmem:s23+$0xFFFFFF40] =	vst v5;
	v4 =	vmax.f32 v4, $0.0e+00;
	v7 =	vld [tilespmem:s22+$0xFFFFFFE0]  }
0xc5: {  	v1 =	vmax.f32 v1, $0.0e+00;
	[tilespmem:s21+$0x60] =	vst v4;
	v4 =	vmax.f32 v6, $0.0e+00;
	v6 =	vld [tilespmem:s22+$0xFFFFFF60]  }
0xc6: {  	[tilespmem:s23+$0xFFFFFF00] =	vst v1;
	v5 =	vld [tilespmem:s24+$0x0]  }
0xc7: {  	v3 =	vmax.f32 v3, $0.0e+00;
	[tilespmem:s23+$0x0] =	vst v4;
	v4 =	vld [tilespmem:s22+$0xFFFFFF20]  }
0xc8: {  	v2 =	vmax.f32 v2, $0.0e+00;
	[tilespmem:s21+$0xFFFFFF20] =	vst v3;
	v1 =	vld [tilespmem:s22+$0xFFFFFFA0]  }
0xc9: {  	[tilespmem:s21+$0xFFFFFF60] =	vst v2;
	v8 =	vld [tilespmem:s24+$0xFFFFFF40];
	v0 =	vmax.f32 v0, $0.0e+00  }
0xca: {  	v9 =	vld [tilespmem:s24+$0xFFFFFF80];
	[tilespmem:s21+$0x20] =	vst v0  }
0xcb: {  	v10 =	vld [tilespmem:s24+$0xFFFFFFC0]  }
0xcc: {  	v0 =	vld.idx.msk [tilespmem:v7+s5+$0x0], $0xffff  }
0xcd: {  	v6 =	vld.idx.msk [tilespmem:v6+s5+$0x0], $0xffff  }
0xce: {  	v7 =	vld.idx.msk [tilespmem:v5+s5+$0x0], $0xffff  }
0xcf: {  	v5 =	vld.idx.msk [tilespmem:v4+s5+$0x0], $0xffff  }
0xd0: {  	v3 =	vld.idx.msk [tilespmem:v1+s5+$0x0], $0xffff  }
0xd1: {  	v2 =	vld.idx.msk [tilespmem:v8+s5+$0x0], $0xffff  }
0xd2: {  	v1 =	vmax.f32 v0, $0.0e+00;
	v0 =	vld.idx.msk [tilespmem:v9+s5+$0x0], $0xffff  }
0xd3: {  	s25 =	simm.s32 $0x199F0;
	s24 =	simm.s32 $0x100;
	[tilespmem:s23+$0x50] =	vst v1;
	v1 =	vld.idx.msk [tilespmem:v10+s5+$0x0], $0xffff;
	v4 =	vmax.f32 v7, $0.0e+00  }
.LBB2_7:
0xd4: {  	v7 =	vld [tilespmem:s25+$0xFFFFFFD0];
	v6 =	vmax.f32 v6, $0.0e+00;
	[tilespmem:s21+$0x70] =	vst v4  }
0xd5: {  	s24 =	sadd.s32 $0x100, s24;
	v3 =	vmax.f32 v3, $0.0e+00;
	[tilespmem:s23+$0xFFFFFF50] =	vst v6;
	v4 =	vld [tilespmem:s22+$0xFFFFFFF0]  }
0xd6: {  	p0 =	slt.u32 s24, $0xF00;
	v5 =	vmax.f32 v5, $0.0e+00;
	v6 =	vld [tilespmem:s25+$0xFFFFFF50];
	[tilespmem:s23+$0x10] =	vst v3  }
0xd7: {  	v2 =	vmax.f32 v2, $0.0e+00;
	v3 =	vld [tilespmem:s25+$0xFFFFFF90];
	[tilespmem:s23+$0xFFFFFF10] =	vst v5  }
0xd8: {  	v0 =	vmax.f32 v0, $0.0e+00;
	v5 =	vld [tilespmem:s25+$0xFFFFFF10];
	[tilespmem:s21+$0xFFFFFF30] =	vst v2  }
0xd9: {  	v2 =	vld [tilespmem:s22+$0xFFFFFF30];
	[tilespmem:s21+$0xFFFFFF70] =	vst v0;
	v0 =	vmax.f32 v1, $0.0e+00  }
0xda: {  	v1 =	vld [tilespmem:s22+$0xFFFFFF70];
	[tilespmem:s21+$0x30] =	vst v0;
	s21 =	smov.u32 s23  }
0xdb: {  	v0 =	vld [tilespmem:s22+$0xFFFFFFB0]  }
0xdc: {  	v7 =	vld.idx.msk [tilespmem:v7+s5+$0x0], $0xffff  }
0xdd: {  	v4 =	vld.idx.msk [tilespmem:v4+s5+$0x0], $0xffff  }
0xde: {  	v6 =	vld.idx.msk [tilespmem:v6+s5+$0x0], $0xffff  }
0xdf: {  	v3 =	vld.idx.msk [tilespmem:v3+s5+$0x0], $0xffff  }
0xe0: {  	v5 =	vld.idx.msk [tilespmem:v5+s5+$0x0], $0xffff  }
0xe1: {  	v2 =	vld.idx.msk [tilespmem:v2+s5+$0x0], $0xffff  }
0xe2: {  	s23 =	sadd.s32 $0x200, s23;
	v7 =	vmax.f32 v7, $0.0e+00;
	v1 =	vld.idx.msk [tilespmem:v1+s5+$0x0], $0xffff  }
0xe3: {  	v4 =	vmax.f32 v4, $0.0e+00;
	[tilespmem:s23+$0x40] =	vst v7;
	v0 =	vld.idx.msk [tilespmem:v0+s5+$0x0], $0xffff  }
0xe4: {  	v6 =	vmax.f32 v6, $0.0e+00;
	v7 =	vld [tilespmem:s25+$0xFFFFFFE0];
	[tilespmem:s21+$0x60] =	vst v4  }
0xe5: {  	v3 =	vmax.f32 v3, $0.0e+00;
	[tilespmem:s23+$0xFFFFFF40] =	vst v6;
	v4 =	vld [tilespmem:s22+$0x0]  }
0xe6: {  	v5 =	vmax.f32 v5, $0.0e+00;
	v6 =	vld [tilespmem:s25+$0xFFFFFF60];
	[tilespmem:s23+$0x0] =	vst v3  }
0xe7: {  	v2 =	vmax.f32 v2, $0.0e+00;
	[tilespmem:s23+$0xFFFFFF00] =	vst v5;
	v3 =	vld [tilespmem:s25+$0xFFFFFFA0]  }
0xe8: {  	v1 =	vmax.f32 v1, $0.0e+00;
	v5 =	vld [tilespmem:s25+$0xFFFFFF20];
	[tilespmem:s21+$0xFFFFFF20] =	vst v2  }
0xe9: {  	v0 =	vmax.f32 v0, $0.0e+00;
	v2 =	vld [tilespmem:s22+$0xFFFFFF40];
	[tilespmem:s21+$0xFFFFFF60] =	vst v1  }
0xea: {  	v1 =	vld [tilespmem:s22+$0xFFFFFF80];
	[tilespmem:s21+$0x20] =	vst v0  }
0xeb: {  	v8 =	vld [tilespmem:s22+$0xFFFFFFC0];
	s22 =	smov.u32 s25  }
0xec: {  	v0 =	vld.idx.msk [tilespmem:v7+s5+$0x0], $0xffff  }
0xed: {  	v4 =	vld.idx.msk [tilespmem:v4+s5+$0x0], $0xffff  }
0xee: {  	v6 =	vld.idx.msk [tilespmem:v6+s5+$0x0], $0xffff  }
.Ltmp2:
0xef: {  	v3 =	vld.idx.msk [tilespmem:v3+s5+$0x0], $0xffff;
	(pc) =	sbr.rel @p0 .LBB2_7-.Ltmp2, $4  }
0xf0: {  	v5 =	vld.idx.msk [tilespmem:v5+s5+$0x0], $0xffff  }
0xf1: {  	v2 =	vld.idx.msk [tilespmem:v2+s5+$0x0], $0xffff  }
0xf2: {  	v7 =	vmax.f32 v0, $0.0e+00;
	v0 =	vld.idx.msk [tilespmem:v1+s5+$0x0], $0xffff  }
0xf3: {  	s25 =	sadd.s32 $0x100, s25;
	v4 =	vmax.f32 v4, $0.0e+00;
	[tilespmem:s23+$0x50] =	vst v7;
	v1 =	vld.idx.msk [tilespmem:v8+s5+$0x0], $0xffff  }
0xf4: {  	v6 =	vmax.f32 v6, $0.0e+00  }
0xf5: {  	v7 =	vld [tilespmem:s22+$0xFFFFFFF0];
	v3 =	vmax.f32 v3, $0.0e+00;
	[tilespmem:s23+$0xFFFFFF50] =	vst v6  }
0xf6: {  	v5 =	vmax.f32 v5, $0.0e+00;
	[tilespmem:s23+$0x10] =	vst v3;
	v53 =	vld [tilespmem:s22+$0xFFFFFF70]  }
0xf7: {  	[tilespmem:s23+$0xFFFFFF10] =	vst v5;
	v54 =	vld [tilespmem:s22+$0xFFFFFFB0]  }
0xf8: {  	v5 =	vld [tilespmem:s22+$0xFFFFFF30];
	_ =	sdelay $0x4  }
0xf9: {  	v7 =	vld.idx.msk [tilespmem:v7+s5+$0x0], $0xffff  }
0xfa: {  	v3 =	vld.idx.msk [tilespmem:v53+s5+$0x0], $0xffff  }
0xfb: {  	v6 =	vld.idx.msk [tilespmem:v54+s5+$0x0], $0xffff  }
0xfc: {  	v5 =	vld.idx.msk [tilespmem:v5+s5+$0x0], $0xffff;
	_ =	sdelay $0x1  }
0xfd: {  	v7 =	vmax.f32 v7, $0.0e+00  }
0xfe: {  	[tilespmem:s23+$0x60] =	vst v7;
	v3 =	vmax.f32 v3, $0.0e+00  }
0xff: {  	v7 =	vld [tilespmem:s22+$0x0];
	v55 =	vmax.f32 v6, $0.0e+00;
	[tilespmem:s23+$0xFFFFFF60] =	vst v3  }
0x100: {  	v5 =	vmax.f32 v5, $0.0e+00;
	[tilespmem:s23+$0x20] =	vst v55;
	v56 =	vld [tilespmem:s22+$0xFFFFFF80]  }
0x101: {  	[tilespmem:s23+$0xFFFFFF20] =	vst v5;
	v3 =	vld [tilespmem:s22+$0xFFFFFFC0]  }
0x102: {  	v5 =	vld [tilespmem:s22+$0xFFFFFF40];
	_ =	sdelay $0x4  }
0x103: {  	v7 =	vld.idx.msk [tilespmem:v7+s5+$0x0], $0xffff  }
0x104: {  	v57 =	vld.idx.msk [tilespmem:v56+s5+$0x0], $0xffff  }
0x105: {  	[tilespmem:s21+$0x70] =	vst v4;
	v2 =	vmax.f32 v2, $0.0e+00;
	v58 =	vld.idx.msk [tilespmem:v3+s5+$0x0], $0xffff  }
0x106: {  	[tilespmem:s21+$0xFFFFFF30] =	vst v2;
	v0 =	vmax.f32 v0, $0.0e+00;
	v5 =	vld.idx.msk [tilespmem:v5+s5+$0x0], $0xffff  }
0x107: {  	[tilespmem:s21+$0xFFFFFF70] =	vst v0;
	v59 =	vmax.f32 v1, $0.0e+00  }
0x108: {  	[tilespmem:s21+$0x30] =	vst v59;
	v60 =	vmax.f32 v7, $0.0e+00  }
0x109: {  	[tilespmem:s23+$0x70] =	vst v60;
	v62 =	vmax.f32 v57, $0.0e+00  }
0x10a: {  	v63 =	vmax.f32 v58, $0.0e+00;
	[tilespmem:s23+$0xFFFFFF70] =	vst v62  }
0x10b: {  	s24 =	simm.s32 $0x1C880;
	s21 =	sadd.s32 s20, s8;
	v61 =	vmax.f32 v5, $0.0e+00;
	[tilespmem:s23+$0x30] =	vst v63  }
0x10c: {  	s25 =	sadd.s32 $0x0, s21;
	s22 =	simm.s32 $0x1C780;
	[tilespmem:s23+$0xFFFFFF30] =	vst v61;
	s23 =	simm.s32 $0x80  }
.LBB2_9:
0x10d: {  	[hbm4b:s25+s5] =	stream.linear.scatter [tilespmem:s22], [sflag:$0x2], $0x80, $0x38;
	[tilespmem:$0x1E700] =	vst v63  }
0x10e: {  	s25 =	smov.u32 s23;
	s22 =	smov.u32 s24;
	p0 =	sne.s32 s23, $0xF80  }
.Ltmp3:
0x10f: {  	s23 =	sadd.s32 $0x80, s23;
	(pc) =	sbr.rel @p0 .LBB2_9-.Ltmp3, $2  }
0x110: {  	_ =	sdelay $0x2  }
0x111: {  	s24 =	sadd.s32 $0x100, s24;
	s25 =	sadd.s32 s25, s21  }
0x112: {  	[hbm4b:s25+s5] =	stream.linear.scatter [tilespmem:s22], [sflag:$0x2], $0x80, $0x38;
	[tilespmem:$0x1E700] =	vst v63  }
0x113: {  	_ =	swait.ge [sflag:s15], $0x1000  }
0x114: {  	[sflag:s15] =	ssyncset.done $0x0  }
0x115: {  	s24 =	simm.s32 $0x1A7F0;
	[sflag:s15] =	ssyncadd.s32 $0xFFFFF000  }
0x116: {  	v0 =	vld [tilespmem:s24+$0xFFFFFFD0];
	_ =	sdelay $0x1  }
0x117: {  	v1 =	vld [tilespmem:s24+$0xFFFFFF50]  }
0x118: {  	v2 =	vld [tilespmem:s24+$0xFFFFFF10]  }
0x119: {  	v3 =	vld [tilespmem:s24+$0xFFFFFF90];
	_ =	sdelay $0x3  }
0x11a: {  	v0 =	vld.idx.msk [tilespmem:v0+s5+$0x0], $0xffff;
	_ =	sdelay $0x1  }
0x11b: {  	v1 =	vld.idx.msk [tilespmem:v1+s5+$0x0], $0xffff  }
0x11c: {  	v2 =	vld.idx.msk [tilespmem:v2+s5+$0x0], $0xffff  }
0x11d: {  	v3 =	vld.idx.msk [tilespmem:v3+s5+$0x0], $0xffff  }
0x11e: {  	s21 =	simm.s32 $0x1C800;
	v0 =	vmax.f32 v0, $0.0e+00  }
0x11f: {  	[tilespmem:s21+$0x40] =	vst v0  }
0x120: {  	v1 =	vmax.f32 v1, $0.0e+00;
	v0 =	vld [tilespmem:s24+$0xFFFFFFE0]  }
0x121: {  	[tilespmem:s21+$0xFFFFFF40] =	vst v1;
	v1 =	vmax.f32 v2, $0.0e+00  }
0x122: {  	v2 =	vmax.f32 v3, $0.0e+00;
	v3 =	vld [tilespmem:s24+$0xFFFFFF60];
	[tilespmem:s21+$0xFFFFFF00] =	vst v1  }
0x123: {  	[tilespmem:s21+$0x0] =	vst v2;
	v1 =	vld [tilespmem:s24+$0xFFFFFF20]  }
0x124: {  	v2 =	vld [tilespmem:s24+$0xFFFFFFA0];
	_ =	sdelay $0x3  }
0x125: {  	v0 =	vld.idx.msk [tilespmem:v0+s5+$0x0], $0xffff;
	_ =	sdelay $0x1  }
0x126: {  	v3 =	vld.idx.msk [tilespmem:v3+s5+$0x0], $0xffff  }
0x127: {  	v1 =	vld.idx.msk [tilespmem:v1+s5+$0x0], $0xffff  }
0x128: {  	s22 =	simm.s32 $0x1A8F0;
	v2 =	vld.idx.msk [tilespmem:v2+s5+$0x0], $0xffff  }
0x129: {  	v5 =	vld [tilespmem:s22+$0xFFFFFF50];
	v0 =	vmax.f32 v0, $0.0e+00  }
0x12a: {  	[tilespmem:s21+$0x50] =	vst v0;
	v0 =	vld [tilespmem:s22+$0xFFFFFFD0]  }
0x12b: {  	v6 =	vld [tilespmem:s22+$0xFFFFFF90];
	v3 =	vmax.f32 v3, $0.0e+00  }
0x12c: {  	v1 =	vmax.f32 v1, $0.0e+00;
	[tilespmem:s21+$0xFFFFFF50] =	vst v3;
	v4 =	vld [tilespmem:s24+$0xFFFFFFF0]  }
0x12d: {  	v2 =	vmax.f32 v2, $0.0e+00;
	[tilespmem:s21+$0xFFFFFF10] =	vst v1;
	v1 =	vld [tilespmem:s22+$0xFFFFFF10]  }
0x12e: {  	[tilespmem:s21+$0x10] =	vst v2;
	v2 =	vld [tilespmem:s24+$0xFFFFFF70]  }
0x12f: {  	v3 =	vld [tilespmem:s24+$0xFFFFFF30]  }
0x130: {  	v7 =	vld [tilespmem:s24+$0xFFFFFFB0]  }
0x131: {  	v5 =	vld.idx.msk [tilespmem:v5+s5+$0x0], $0xffff  }
0x132: {  	v0 =	vld.idx.msk [tilespmem:v0+s5+$0x0], $0xffff  }
0x133: {  	v6 =	vld.idx.msk [tilespmem:v6+s5+$0x0], $0xffff  }
0x134: {  	v4 =	vld.idx.msk [tilespmem:v4+s5+$0x0], $0xffff  }
0x135: {  	v1 =	vld.idx.msk [tilespmem:v1+s5+$0x0], $0xffff  }
0x136: {  	v2 =	vld.idx.msk [tilespmem:v2+s5+$0x0], $0xffff  }
0x137: {  	s23 =	simm.s32 $0x1CA00;
	v3 =	vld.idx.msk [tilespmem:v3+s5+$0x0], $0xffff;
	v0 =	vmax.f32 v0, $0.0e+00  }
0x138: {  	v5 =	vmax.f32 v5, $0.0e+00;
	[tilespmem:s23+$0x40] =	vst v0;
	v0 =	vld.idx.msk [tilespmem:v7+s5+$0x0], $0xffff  }
0x139: {  	[tilespmem:s23+$0xFFFFFF40] =	vst v5;
	v4 =	vmax.f32 v4, $0.0e+00;
	v7 =	vld [tilespmem:s22+$0xFFFFFFE0]  }
0x13a: {  	v1 =	vmax.f32 v1, $0.0e+00;
	[tilespmem:s21+$0x60] =	vst v4;
	v4 =	vmax.f32 v6, $0.0e+00;
	v6 =	vld [tilespmem:s22+$0xFFFFFF60]  }
0x13b: {  	[tilespmem:s23+$0xFFFFFF00] =	vst v1;
	v5 =	vld [tilespmem:s24+$0x0]  }
0x13c: {  	v3 =	vmax.f32 v3, $0.0e+00;
	[tilespmem:s23+$0x0] =	vst v4;
	v4 =	vld [tilespmem:s22+$0xFFFFFF20]  }
0x13d: {  	v2 =	vmax.f32 v2, $0.0e+00;
	[tilespmem:s21+$0xFFFFFF20] =	vst v3;
	v1 =	vld [tilespmem:s22+$0xFFFFFFA0]  }
0x13e: {  	[tilespmem:s21+$0xFFFFFF60] =	vst v2;
	v8 =	vld [tilespmem:s24+$0xFFFFFF40];
	v0 =	vmax.f32 v0, $0.0e+00  }
0x13f: {  	v9 =	vld [tilespmem:s24+$0xFFFFFF80];
	[tilespmem:s21+$0x20] =	vst v0  }
0x140: {  	v10 =	vld [tilespmem:s24+$0xFFFFFFC0]  }
0x141: {  	v0 =	vld.idx.msk [tilespmem:v7+s5+$0x0], $0xffff  }
0x142: {  	v6 =	vld.idx.msk [tilespmem:v6+s5+$0x0], $0xffff  }
0x143: {  	v7 =	vld.idx.msk [tilespmem:v5+s5+$0x0], $0xffff  }
0x144: {  	v5 =	vld.idx.msk [tilespmem:v4+s5+$0x0], $0xffff  }
0x145: {  	v3 =	vld.idx.msk [tilespmem:v1+s5+$0x0], $0xffff  }
0x146: {  	v2 =	vld.idx.msk [tilespmem:v8+s5+$0x0], $0xffff  }
0x147: {  	v1 =	vmax.f32 v0, $0.0e+00;
	v0 =	vld.idx.msk [tilespmem:v9+s5+$0x0], $0xffff  }
0x148: {  	s25 =	simm.s32 $0x1A9F0;
	s24 =	simm.s32 $0x100;
	[tilespmem:s23+$0x50] =	vst v1;
	v1 =	vld.idx.msk [tilespmem:v10+s5+$0x0], $0xffff;
	v4 =	vmax.f32 v7, $0.0e+00  }
.LBB2_11:
0x149: {  	v7 =	vld [tilespmem:s25+$0xFFFFFFD0];
	v6 =	vmax.f32 v6, $0.0e+00;
	[tilespmem:s21+$0x70] =	vst v4  }
0x14a: {  	s24 =	sadd.s32 $0x100, s24;
	v3 =	vmax.f32 v3, $0.0e+00;
	[tilespmem:s23+$0xFFFFFF50] =	vst v6;
	v4 =	vld [tilespmem:s22+$0xFFFFFFF0]  }
0x14b: {  	p0 =	slt.u32 s24, $0xF00;
	v5 =	vmax.f32 v5, $0.0e+00;
	v6 =	vld [tilespmem:s25+$0xFFFFFF50];
	[tilespmem:s23+$0x10] =	vst v3  }
0x14c: {  	v2 =	vmax.f32 v2, $0.0e+00;
	v3 =	vld [tilespmem:s25+$0xFFFFFF90];
	[tilespmem:s23+$0xFFFFFF10] =	vst v5  }
0x14d: {  	v0 =	vmax.f32 v0, $0.0e+00;
	v5 =	vld [tilespmem:s25+$0xFFFFFF10];
	[tilespmem:s21+$0xFFFFFF30] =	vst v2  }
0x14e: {  	v2 =	vld [tilespmem:s22+$0xFFFFFF30];
	[tilespmem:s21+$0xFFFFFF70] =	vst v0;
	v0 =	vmax.f32 v1, $0.0e+00  }
0x14f: {  	v1 =	vld [tilespmem:s22+$0xFFFFFF70];
	[tilespmem:s21+$0x30] =	vst v0;
	s21 =	smov.u32 s23  }
0x150: {  	v0 =	vld [tilespmem:s22+$0xFFFFFFB0]  }
0x151: {  	v7 =	vld.idx.msk [tilespmem:v7+s5+$0x0], $0xffff  }
0x152: {  	v4 =	vld.idx.msk [tilespmem:v4+s5+$0x0], $0xffff  }
0x153: {  	v6 =	vld.idx.msk [tilespmem:v6+s5+$0x0], $0xffff  }
0x154: {  	v3 =	vld.idx.msk [tilespmem:v3+s5+$0x0], $0xffff  }
0x155: {  	v5 =	vld.idx.msk [tilespmem:v5+s5+$0x0], $0xffff  }
0x156: {  	v2 =	vld.idx.msk [tilespmem:v2+s5+$0x0], $0xffff  }
0x157: {  	s23 =	sadd.s32 $0x200, s23;
	v7 =	vmax.f32 v7, $0.0e+00;
	v1 =	vld.idx.msk [tilespmem:v1+s5+$0x0], $0xffff  }
0x158: {  	v4 =	vmax.f32 v4, $0.0e+00;
	[tilespmem:s23+$0x40] =	vst v7;
	v0 =	vld.idx.msk [tilespmem:v0+s5+$0x0], $0xffff  }
0x159: {  	v6 =	vmax.f32 v6, $0.0e+00;
	v7 =	vld [tilespmem:s25+$0xFFFFFFE0];
	[tilespmem:s21+$0x60] =	vst v4  }
0x15a: {  	v3 =	vmax.f32 v3, $0.0e+00;
	[tilespmem:s23+$0xFFFFFF40] =	vst v6;
	v4 =	vld [tilespmem:s22+$0x0]  }
0x15b: {  	v5 =	vmax.f32 v5, $0.0e+00;
	v6 =	vld [tilespmem:s25+$0xFFFFFF60];
	[tilespmem:s23+$0x0] =	vst v3  }
0x15c: {  	v2 =	vmax.f32 v2, $0.0e+00;
	[tilespmem:s23+$0xFFFFFF00] =	vst v5;
	v3 =	vld [tilespmem:s25+$0xFFFFFFA0]  }
0x15d: {  	v1 =	vmax.f32 v1, $0.0e+00;
	v5 =	vld [tilespmem:s25+$0xFFFFFF20];
	[tilespmem:s21+$0xFFFFFF20] =	vst v2  }
0x15e: {  	v0 =	vmax.f32 v0, $0.0e+00;
	v2 =	vld [tilespmem:s22+$0xFFFFFF40];
	[tilespmem:s21+$0xFFFFFF60] =	vst v1  }
0x15f: {  	v1 =	vld [tilespmem:s22+$0xFFFFFF80];
	[tilespmem:s21+$0x20] =	vst v0  }
0x160: {  	v8 =	vld [tilespmem:s22+$0xFFFFFFC0];
	s22 =	smov.u32 s25  }
0x161: {  	v0 =	vld.idx.msk [tilespmem:v7+s5+$0x0], $0xffff  }
0x162: {  	v4 =	vld.idx.msk [tilespmem:v4+s5+$0x0], $0xffff  }
0x163: {  	v6 =	vld.idx.msk [tilespmem:v6+s5+$0x0], $0xffff  }
.Ltmp4:
0x164: {  	v3 =	vld.idx.msk [tilespmem:v3+s5+$0x0], $0xffff;
	(pc) =	sbr.rel @p0 .LBB2_11-.Ltmp4, $4  }
0x165: {  	v5 =	vld.idx.msk [tilespmem:v5+s5+$0x0], $0xffff  }
0x166: {  	v2 =	vld.idx.msk [tilespmem:v2+s5+$0x0], $0xffff  }
0x167: {  	v7 =	vmax.f32 v0, $0.0e+00;
	v0 =	vld.idx.msk [tilespmem:v1+s5+$0x0], $0xffff  }
0x168: {  	s25 =	sadd.s32 $0x100, s25;
	v4 =	vmax.f32 v4, $0.0e+00;
	[tilespmem:s23+$0x50] =	vst v7;
	v1 =	vld.idx.msk [tilespmem:v8+s5+$0x0], $0xffff  }
0x169: {  	v6 =	vmax.f32 v6, $0.0e+00  }
0x16a: {  	v7 =	vld [tilespmem:s22+$0xFFFFFFF0];
	v3 =	vmax.f32 v3, $0.0e+00;
	[tilespmem:s23+$0xFFFFFF50] =	vst v6  }
0x16b: {  	v5 =	vmax.f32 v5, $0.0e+00;
	[tilespmem:s23+$0x10] =	vst v3;
	v53 =	vld [tilespmem:s22+$0xFFFFFF70]  }
0x16c: {  	[tilespmem:s23+$0xFFFFFF10] =	vst v5;
	v54 =	vld [tilespmem:s22+$0xFFFFFFB0]  }
0x16d: {  	v5 =	vld [tilespmem:s22+$0xFFFFFF30];
	_ =	sdelay $0x4  }
0x16e: {  	v7 =	vld.idx.msk [tilespmem:v7+s5+$0x0], $0xffff  }
0x16f: {  	v3 =	vld.idx.msk [tilespmem:v53+s5+$0x0], $0xffff  }
0x170: {  	v6 =	vld.idx.msk [tilespmem:v54+s5+$0x0], $0xffff  }
0x171: {  	v5 =	vld.idx.msk [tilespmem:v5+s5+$0x0], $0xffff;
	_ =	sdelay $0x1  }
0x172: {  	v7 =	vmax.f32 v7, $0.0e+00  }
0x173: {  	[tilespmem:s23+$0x60] =	vst v7;
	v3 =	vmax.f32 v3, $0.0e+00  }
0x174: {  	v7 =	vld [tilespmem:s22+$0x0];
	v55 =	vmax.f32 v6, $0.0e+00;
	[tilespmem:s23+$0xFFFFFF60] =	vst v3  }
0x175: {  	v5 =	vmax.f32 v5, $0.0e+00;
	[tilespmem:s23+$0x20] =	vst v55;
	v56 =	vld [tilespmem:s22+$0xFFFFFF80]  }
0x176: {  	[tilespmem:s23+$0xFFFFFF20] =	vst v5;
	v3 =	vld [tilespmem:s22+$0xFFFFFFC0]  }
0x177: {  	v5 =	vld [tilespmem:s22+$0xFFFFFF40];
	_ =	sdelay $0x4  }
0x178: {  	v7 =	vld.idx.msk [tilespmem:v7+s5+$0x0], $0xffff  }
0x179: {  	v57 =	vld.idx.msk [tilespmem:v56+s5+$0x0], $0xffff  }
0x17a: {  	[tilespmem:s21+$0x70] =	vst v4;
	v2 =	vmax.f32 v2, $0.0e+00;
	v58 =	vld.idx.msk [tilespmem:v3+s5+$0x0], $0xffff  }
0x17b: {  	[tilespmem:s21+$0xFFFFFF30] =	vst v2;
	v0 =	vmax.f32 v0, $0.0e+00;
	v5 =	vld.idx.msk [tilespmem:v5+s5+$0x0], $0xffff  }
0x17c: {  	[tilespmem:s21+$0xFFFFFF70] =	vst v0;
	v59 =	vmax.f32 v1, $0.0e+00  }
0x17d: {  	[tilespmem:s21+$0x30] =	vst v59;
	v60 =	vmax.f32 v7, $0.0e+00  }
0x17e: {  	[tilespmem:s23+$0x70] =	vst v60;
	v62 =	vmax.f32 v57, $0.0e+00  }
0x17f: {  	v63 =	vmax.f32 v58, $0.0e+00;
	[tilespmem:s23+$0xFFFFFF70] =	vst v62  }
0x180: {  	s24 =	simm.s32 $0x1C800;
	s21 =	sadd.s32 s20, s9;
	v61 =	vmax.f32 v5, $0.0e+00;
	[tilespmem:s23+$0x30] =	vst v63  }
0x181: {  	s25 =	sadd.s32 $0x0, s21;
	s22 =	simm.s32 $0x1C700;
	[tilespmem:s23+$0xFFFFFF30] =	vst v61;
	s23 =	simm.s32 $0x80  }
.LBB2_13:
0x182: {  	[hbm4b:s25+s5] =	stream.linear.scatter [tilespmem:s22], [sflag:$0x1], $0x80, $0x38;
	[tilespmem:$0x1E700] =	vst v63  }
0x183: {  	s25 =	smov.u32 s23;
	s22 =	smov.u32 s24;
	p0 =	sne.s32 s23, $0xF80  }
.Ltmp5:
0x184: {  	s23 =	sadd.s32 $0x80, s23;
	(pc) =	sbr.rel @p0 .LBB2_13-.Ltmp5, $2  }
0x185: {  	_ =	sdelay $0x2  }
0x186: {  	s24 =	sadd.s32 $0x100, s24;
	s25 =	sadd.s32 s25, s21  }
0x187: {  	[hbm4b:s25+s5] =	stream.linear.scatter [tilespmem:s22], [sflag:$0x1], $0x80, $0x38;
	[tilespmem:$0x1E700] =	vst v63  }
0x188: {  	_ =	swait.ge [sflag:s16], $0x1000  }
0x189: {  	[sflag:s16] =	ssyncset.done $0x0  }
0x18a: {  	s24 =	simm.s32 $0x1B7F0;
	[sflag:s16] =	ssyncadd.s32 $0xFFFFF000  }
0x18b: {  	v0 =	vld [tilespmem:s24+$0xFFFFFFD0];
	_ =	sdelay $0x1  }
0x18c: {  	v1 =	vld [tilespmem:s24+$0xFFFFFF50]  }
0x18d: {  	v2 =	vld [tilespmem:s24+$0xFFFFFF10]  }
0x18e: {  	v3 =	vld [tilespmem:s24+$0xFFFFFF90];
	_ =	sdelay $0x3  }
0x18f: {  	v0 =	vld.idx.msk [tilespmem:v0+s5+$0x0], $0xffff;
	_ =	sdelay $0x1  }
0x190: {  	v1 =	vld.idx.msk [tilespmem:v1+s5+$0x0], $0xffff  }
0x191: {  	v2 =	vld.idx.msk [tilespmem:v2+s5+$0x0], $0xffff  }
0x192: {  	v3 =	vld.idx.msk [tilespmem:v3+s5+$0x0], $0xffff  }
0x193: {  	s21 =	simm.s32 $0x1C880;
	v0 =	vmax.f32 v0, $0.0e+00  }
0x194: {  	[tilespmem:s21+$0x40] =	vst v0  }
0x195: {  	v1 =	vmax.f32 v1, $0.0e+00;
	v0 =	vld [tilespmem:s24+$0xFFFFFFE0]  }
0x196: {  	[tilespmem:s21+$0xFFFFFF40] =	vst v1;
	v1 =	vmax.f32 v2, $0.0e+00  }
0x197: {  	v2 =	vmax.f32 v3, $0.0e+00;
	v3 =	vld [tilespmem:s24+$0xFFFFFF60];
	[tilespmem:s21+$0xFFFFFF00] =	vst v1  }
0x198: {  	[tilespmem:s21+$0x0] =	vst v2;
	v1 =	vld [tilespmem:s24+$0xFFFFFF20]  }
0x199: {  	v2 =	vld [tilespmem:s24+$0xFFFFFFA0];
	_ =	sdelay $0x3  }
0x19a: {  	v0 =	vld.idx.msk [tilespmem:v0+s5+$0x0], $0xffff;
	_ =	sdelay $0x1  }
0x19b: {  	v3 =	vld.idx.msk [tilespmem:v3+s5+$0x0], $0xffff  }
0x19c: {  	v1 =	vld.idx.msk [tilespmem:v1+s5+$0x0], $0xffff  }
0x19d: {  	s22 =	simm.s32 $0x1B8F0;
	v2 =	vld.idx.msk [tilespmem:v2+s5+$0x0], $0xffff  }
0x19e: {  	v5 =	vld [tilespmem:s22+$0xFFFFFF50];
	v0 =	vmax.f32 v0, $0.0e+00  }
0x19f: {  	[tilespmem:s21+$0x50] =	vst v0;
	v0 =	vld [tilespmem:s22+$0xFFFFFFD0]  }
0x1a0: {  	v6 =	vld [tilespmem:s22+$0xFFFFFF90];
	v3 =	vmax.f32 v3, $0.0e+00  }
0x1a1: {  	v1 =	vmax.f32 v1, $0.0e+00;
	[tilespmem:s21+$0xFFFFFF50] =	vst v3;
	v4 =	vld [tilespmem:s24+$0xFFFFFFF0]  }
0x1a2: {  	v2 =	vmax.f32 v2, $0.0e+00;
	[tilespmem:s21+$0xFFFFFF10] =	vst v1;
	v1 =	vld [tilespmem:s22+$0xFFFFFF10]  }
0x1a3: {  	[tilespmem:s21+$0x10] =	vst v2;
	v2 =	vld [tilespmem:s24+$0xFFFFFF70]  }
0x1a4: {  	v3 =	vld [tilespmem:s24+$0xFFFFFF30]  }
0x1a5: {  	v7 =	vld [tilespmem:s24+$0xFFFFFFB0]  }
0x1a6: {  	v5 =	vld.idx.msk [tilespmem:v5+s5+$0x0], $0xffff  }
0x1a7: {  	v0 =	vld.idx.msk [tilespmem:v0+s5+$0x0], $0xffff  }
0x1a8: {  	v6 =	vld.idx.msk [tilespmem:v6+s5+$0x0], $0xffff  }
0x1a9: {  	v4 =	vld.idx.msk [tilespmem:v4+s5+$0x0], $0xffff  }
0x1aa: {  	v1 =	vld.idx.msk [tilespmem:v1+s5+$0x0], $0xffff  }
0x1ab: {  	v2 =	vld.idx.msk [tilespmem:v2+s5+$0x0], $0xffff  }
0x1ac: {  	s23 =	simm.s32 $0x1CA80;
	v3 =	vld.idx.msk [tilespmem:v3+s5+$0x0], $0xffff;
	v0 =	vmax.f32 v0, $0.0e+00  }
0x1ad: {  	v5 =	vmax.f32 v5, $0.0e+00;
	[tilespmem:s23+$0x40] =	vst v0;
	v0 =	vld.idx.msk [tilespmem:v7+s5+$0x0], $0xffff  }
0x1ae: {  	[tilespmem:s23+$0xFFFFFF40] =	vst v5;
	v4 =	vmax.f32 v4, $0.0e+00;
	v7 =	vld [tilespmem:s22+$0xFFFFFFE0]  }
0x1af: {  	v1 =	vmax.f32 v1, $0.0e+00;
	[tilespmem:s21+$0x60] =	vst v4;
	v4 =	vmax.f32 v6, $0.0e+00;
	v6 =	vld [tilespmem:s22+$0xFFFFFF60]  }
0x1b0: {  	[tilespmem:s23+$0xFFFFFF00] =	vst v1;
	v5 =	vld [tilespmem:s24+$0x0]  }
0x1b1: {  	v3 =	vmax.f32 v3, $0.0e+00;
	[tilespmem:s23+$0x0] =	vst v4;
	v4 =	vld [tilespmem:s22+$0xFFFFFF20]  }
0x1b2: {  	v2 =	vmax.f32 v2, $0.0e+00;
	[tilespmem:s21+$0xFFFFFF20] =	vst v3;
	v1 =	vld [tilespmem:s22+$0xFFFFFFA0]  }
0x1b3: {  	[tilespmem:s21+$0xFFFFFF60] =	vst v2;
	v8 =	vld [tilespmem:s24+$0xFFFFFF40];
	v0 =	vmax.f32 v0, $0.0e+00  }
0x1b4: {  	v9 =	vld [tilespmem:s24+$0xFFFFFF80];
	[tilespmem:s21+$0x20] =	vst v0  }
0x1b5: {  	v10 =	vld [tilespmem:s24+$0xFFFFFFC0]  }
0x1b6: {  	v0 =	vld.idx.msk [tilespmem:v7+s5+$0x0], $0xffff  }
0x1b7: {  	v6 =	vld.idx.msk [tilespmem:v6+s5+$0x0], $0xffff  }
0x1b8: {  	v7 =	vld.idx.msk [tilespmem:v5+s5+$0x0], $0xffff  }
0x1b9: {  	v5 =	vld.idx.msk [tilespmem:v4+s5+$0x0], $0xffff  }
0x1ba: {  	v3 =	vld.idx.msk [tilespmem:v1+s5+$0x0], $0xffff  }
0x1bb: {  	v2 =	vld.idx.msk [tilespmem:v8+s5+$0x0], $0xffff  }
0x1bc: {  	v1 =	vmax.f32 v0, $0.0e+00;
	v0 =	vld.idx.msk [tilespmem:v9+s5+$0x0], $0xffff  }
0x1bd: {  	s25 =	simm.s32 $0x1B9F0;
	s24 =	simm.s32 $0x100;
	[tilespmem:s23+$0x50] =	vst v1;
	v1 =	vld.idx.msk [tilespmem:v10+s5+$0x0], $0xffff;
	v4 =	vmax.f32 v7, $0.0e+00  }
.LBB2_15:
0x1be: {  	v7 =	vld [tilespmem:s25+$0xFFFFFFD0];
	v6 =	vmax.f32 v6, $0.0e+00;
	[tilespmem:s21+$0x70] =	vst v4  }
0x1bf: {  	s24 =	sadd.s32 $0x100, s24;
	v3 =	vmax.f32 v3, $0.0e+00;
	[tilespmem:s23+$0xFFFFFF50] =	vst v6;
	v4 =	vld [tilespmem:s22+$0xFFFFFFF0]  }
0x1c0: {  	p0 =	slt.u32 s24, $0xF00;
	v5 =	vmax.f32 v5, $0.0e+00;
	v6 =	vld [tilespmem:s25+$0xFFFFFF50];
	[tilespmem:s23+$0x10] =	vst v3  }
0x1c1: {  	v2 =	vmax.f32 v2, $0.0e+00;
	v3 =	vld [tilespmem:s25+$0xFFFFFF90];
	[tilespmem:s23+$0xFFFFFF10] =	vst v5  }
0x1c2: {  	v0 =	vmax.f32 v0, $0.0e+00;
	v5 =	vld [tilespmem:s25+$0xFFFFFF10];
	[tilespmem:s21+$0xFFFFFF30] =	vst v2  }
0x1c3: {  	v2 =	vld [tilespmem:s22+$0xFFFFFF30];
	[tilespmem:s21+$0xFFFFFF70] =	vst v0;
	v0 =	vmax.f32 v1, $0.0e+00  }
0x1c4: {  	v1 =	vld [tilespmem:s22+$0xFFFFFF70];
	[tilespmem:s21+$0x30] =	vst v0;
	s21 =	smov.u32 s23  }
0x1c5: {  	v0 =	vld [tilespmem:s22+$0xFFFFFFB0]  }
0x1c6: {  	v7 =	vld.idx.msk [tilespmem:v7+s5+$0x0], $0xffff  }
0x1c7: {  	v4 =	vld.idx.msk [tilespmem:v4+s5+$0x0], $0xffff  }
0x1c8: {  	v6 =	vld.idx.msk [tilespmem:v6+s5+$0x0], $0xffff  }
0x1c9: {  	v3 =	vld.idx.msk [tilespmem:v3+s5+$0x0], $0xffff  }
0x1ca: {  	v5 =	vld.idx.msk [tilespmem:v5+s5+$0x0], $0xffff  }
0x1cb: {  	v2 =	vld.idx.msk [tilespmem:v2+s5+$0x0], $0xffff  }
0x1cc: {  	s23 =	sadd.s32 $0x200, s23;
	v7 =	vmax.f32 v7, $0.0e+00;
	v1 =	vld.idx.msk [tilespmem:v1+s5+$0x0], $0xffff  }
0x1cd: {  	v4 =	vmax.f32 v4, $0.0e+00;
	[tilespmem:s23+$0x40] =	vst v7;
	v0 =	vld.idx.msk [tilespmem:v0+s5+$0x0], $0xffff  }
0x1ce: {  	v6 =	vmax.f32 v6, $0.0e+00;
	v7 =	vld [tilespmem:s25+$0xFFFFFFE0];
	[tilespmem:s21+$0x60] =	vst v4  }
0x1cf: {  	v3 =	vmax.f32 v3, $0.0e+00;
	[tilespmem:s23+$0xFFFFFF40] =	vst v6;
	v4 =	vld [tilespmem:s22+$0x0]  }
0x1d0: {  	v5 =	vmax.f32 v5, $0.0e+00;
	v6 =	vld [tilespmem:s25+$0xFFFFFF60];
	[tilespmem:s23+$0x0] =	vst v3  }
0x1d1: {  	v2 =	vmax.f32 v2, $0.0e+00;
	[tilespmem:s23+$0xFFFFFF00] =	vst v5;
	v3 =	vld [tilespmem:s25+$0xFFFFFFA0]  }
0x1d2: {  	v1 =	vmax.f32 v1, $0.0e+00;
	v5 =	vld [tilespmem:s25+$0xFFFFFF20];
	[tilespmem:s21+$0xFFFFFF20] =	vst v2  }
0x1d3: {  	v0 =	vmax.f32 v0, $0.0e+00;
	v2 =	vld [tilespmem:s22+$0xFFFFFF40];
	[tilespmem:s21+$0xFFFFFF60] =	vst v1  }
0x1d4: {  	v1 =	vld [tilespmem:s22+$0xFFFFFF80];
	[tilespmem:s21+$0x20] =	vst v0  }
0x1d5: {  	v8 =	vld [tilespmem:s22+$0xFFFFFFC0];
	s22 =	smov.u32 s25  }
0x1d6: {  	v0 =	vld.idx.msk [tilespmem:v7+s5+$0x0], $0xffff  }
0x1d7: {  	v4 =	vld.idx.msk [tilespmem:v4+s5+$0x0], $0xffff  }
0x1d8: {  	v6 =	vld.idx.msk [tilespmem:v6+s5+$0x0], $0xffff  }
.Ltmp6:
0x1d9: {  	v3 =	vld.idx.msk [tilespmem:v3+s5+$0x0], $0xffff;
	(pc) =	sbr.rel @p0 .LBB2_15-.Ltmp6, $4  }
0x1da: {  	v5 =	vld.idx.msk [tilespmem:v5+s5+$0x0], $0xffff  }
0x1db: {  	v2 =	vld.idx.msk [tilespmem:v2+s5+$0x0], $0xffff  }
0x1dc: {  	v7 =	vmax.f32 v0, $0.0e+00;
	v0 =	vld.idx.msk [tilespmem:v1+s5+$0x0], $0xffff  }
0x1dd: {  	s25 =	sadd.s32 $0x100, s25;
	v4 =	vmax.f32 v4, $0.0e+00;
	[tilespmem:s23+$0x50] =	vst v7;
	v1 =	vld.idx.msk [tilespmem:v8+s5+$0x0], $0xffff  }
0x1de: {  	v6 =	vmax.f32 v6, $0.0e+00  }
0x1df: {  	v7 =	vld [tilespmem:s22+$0xFFFFFFF0];
	v3 =	vmax.f32 v3, $0.0e+00;
	[tilespmem:s23+$0xFFFFFF50] =	vst v6  }
0x1e0: {  	v5 =	vmax.f32 v5, $0.0e+00;
	[tilespmem:s23+$0x10] =	vst v3;
	v53 =	vld [tilespmem:s22+$0xFFFFFF70]  }
0x1e1: {  	[tilespmem:s23+$0xFFFFFF10] =	vst v5;
	v54 =	vld [tilespmem:s22+$0xFFFFFFB0]  }
0x1e2: {  	v5 =	vld [tilespmem:s22+$0xFFFFFF30];
	_ =	sdelay $0x4  }
0x1e3: {  	v7 =	vld.idx.msk [tilespmem:v7+s5+$0x0], $0xffff  }
0x1e4: {  	v3 =	vld.idx.msk [tilespmem:v53+s5+$0x0], $0xffff  }
0x1e5: {  	v6 =	vld.idx.msk [tilespmem:v54+s5+$0x0], $0xffff  }
0x1e6: {  	v5 =	vld.idx.msk [tilespmem:v5+s5+$0x0], $0xffff;
	_ =	sdelay $0x1  }
0x1e7: {  	v7 =	vmax.f32 v7, $0.0e+00  }
0x1e8: {  	[tilespmem:s23+$0x60] =	vst v7;
	v3 =	vmax.f32 v3, $0.0e+00  }
0x1e9: {  	v7 =	vld [tilespmem:s22+$0x0];
	v55 =	vmax.f32 v6, $0.0e+00;
	[tilespmem:s23+$0xFFFFFF60] =	vst v3  }
0x1ea: {  	v5 =	vmax.f32 v5, $0.0e+00;
	[tilespmem:s23+$0x20] =	vst v55;
	v56 =	vld [tilespmem:s22+$0xFFFFFF80]  }
0x1eb: {  	[tilespmem:s23+$0xFFFFFF20] =	vst v5;
	v3 =	vld [tilespmem:s22+$0xFFFFFFC0]  }
0x1ec: {  	v5 =	vld [tilespmem:s22+$0xFFFFFF40];
	_ =	sdelay $0x4  }
0x1ed: {  	v7 =	vld.idx.msk [tilespmem:v7+s5+$0x0], $0xffff  }
0x1ee: {  	v57 =	vld.idx.msk [tilespmem:v56+s5+$0x0], $0xffff  }
0x1ef: {  	[tilespmem:s21+$0x70] =	vst v4;
	v2 =	vmax.f32 v2, $0.0e+00;
	v58 =	vld.idx.msk [tilespmem:v3+s5+$0x0], $0xffff  }
0x1f0: {  	[tilespmem:s21+$0xFFFFFF30] =	vst v2;
	v0 =	vmax.f32 v0, $0.0e+00;
	v5 =	vld.idx.msk [tilespmem:v5+s5+$0x0], $0xffff  }
0x1f1: {  	[tilespmem:s21+$0xFFFFFF70] =	vst v0;
	v59 =	vmax.f32 v1, $0.0e+00  }
0x1f2: {  	[tilespmem:s21+$0x30] =	vst v59;
	v60 =	vmax.f32 v7, $0.0e+00  }
0x1f3: {  	[tilespmem:s23+$0x70] =	vst v60;
	v62 =	vmax.f32 v57, $0.0e+00  }
0x1f4: {  	s20 =	sadd.s32 s20, s10;
	v63 =	vmax.f32 v58, $0.0e+00;
	[tilespmem:s23+$0xFFFFFF70] =	vst v62  }
0x1f5: {  	s24 =	sadd.s32 $0x0, s20;
	v61 =	vmax.f32 v5, $0.0e+00;
	[tilespmem:s23+$0x30] =	vst v63  }
0x1f6: {  	s21 =	simm.s32 $0x1C780;
	s22 =	simm.s32 $0x80;
	[tilespmem:s23+$0xFFFFFF30] =	vst v61;
	s23 =	simm.s32 $0x1C880  }
.LBB2_17:
0x1f7: {  	[hbm4b:s24+s5] =	stream.linear.scatter [tilespmem:s21], [sflag:$0x2], $0x80, $0x38;
	[tilespmem:$0x1E700] =	vst v63  }
0x1f8: {  	s24 =	smov.u32 s22;
	s21 =	smov.u32 s23;
	p0 =	sne.s32 s22, $0xF80  }
.Ltmp7:
0x1f9: {  	s22 =	sadd.s32 $0x80, s22;
	(pc) =	sbr.rel @p0 .LBB2_17-.Ltmp7, $2  }
0x1fa: {  	_ =	sdelay $0x2  }
0x1fb: {  	s23 =	sadd.s32 $0x100, s23;
	s24 =	sadd.s32 s24, s20  }
0x1fc: {  	s19 =	sadd.s32 $0x1, s19  }
0x1fd: {  	p0 =	sne.s32 s19, s6  }
.Ltmp8:
0x1fe: {  	_ = 	snop;
	(pc) =	sbr.rel @p0 .LBB2_2-.Ltmp8, $2  }
0x1ff: {  	_ =	sdelay $0x2  }
0x200: {  	[hbm4b:s24+s5] =	stream.linear.scatter [tilespmem:s21], [sflag:$0x2], $0x80, $0x38;
	[tilespmem:$0x1E700] =	vst v63  }
0x201: {  	s17 =	sadd.s32 $0x1, s17  }
0x202: {  	_ =	swait.ge [sflag:s15], $0x1000;
	p0 =	sne.s32 s17, s11  }
.Ltmp9:
0x203: {  	[sflag:s15] =	ssyncset.done $0x0;
	(pc) =	sbr.rel @p0 .LBB2_1-.Ltmp9, $4  }
0x204: {  	[sflag:s15] =	ssyncadd.s32 $0xFFFFF000  }
0x205: {  	_ =	swait.ge [sflag:s16], $0x1000  }
0x206: {  	[sflag:s16] =	ssyncset.done $0x0  }
0x207: {  	[sflag:s16] =	ssyncadd.s32 $0xFFFFF000  }
0x208: {  	_ =	sfence.sel $0x180000  }
0x209: {  	[bflag:$0x0] =	sbarrier.arrive $0xFFFF  }
0x20a: {  	p0 =	sne.s32 s2, $0x0;
	_ =	strace $0x90000047  }
0x20b: {  	s0 =	sadd.s32 @!p0 $0x100000, s0;
	[bflag:$0x2] =	sbarrier.arrive $0xFFFF  }
0x20c: {  	[sflag:s0] =	ssyncadd.tile.s32 @!p0 $0x1;
	_ =	shalt  }
.Lfunc_end2:
_tile_overlayer_lowered:
.L_overlay_start_2:
0x20d: {  	(tag) =	ssettag $0x2  }
0x20e: {  	s0 =	rddreg [dreg:$0x0];
	s2 =	stileid.u32  }
0x20f: {  	s1 =	rddreg [dreg:$0x1];
	p0 =	sne.s32 s2, $0x0  }
0x210: {  	s3 =	rddreg [dreg:$0x2];
	[bflag:$0x3] =	sbarrier.arrive $0xFFFF;
	s2 =	simm.s32 @!p0 $0x1C05  }
0x211: {  	[timem:s3], [sflag:s2] =	dma.local @!p0 [hbm:s0], s1  }
0x212: {  	s0 =	simm.s32 @!p0 $0x5  }
0x213: {  	_ =	swait.ge @!p0 [sflag:s0], s1  }
0x214: {  	s1 =	ssub.s32 @!p0 $0x0, s1;
	[sflag:s0] =	ssyncset.done @!p0 $0x0  }
0x215: {  	[sflag:s0] =	ssyncadd.s32 @!p0 s1  }
0x216: {  	[bflag:$0x3] =	sbarrier.arrive $0xFFFF  }
0x217: {  	_ =	shalt  }

</sc_bundles>
